<compile_context>
chip_gen: v7x
topology: tpu7x:2x2x1
jax: 0.10.2.dev20260603
libtpu: 0.0.44.dev20260713+nightly
codegen_flags: <defaults>
</compile_context>

<pallas_src>
import functools

import jax
import jax.numpy as jnp
from jax import lax
from jax.experimental import pallas as pl
from jax.experimental.pallas import tpu as pltpu
from jax.experimental.pallas import tpu_sc as plsc

N = 100000
E = 1600000
H = 64
NG = 128

NPAD = 102400
HALF = NPAD // 2
TRASH = 1024
ACC_R = HALF + TRASH
WB_R = HALF // 16

EP = 1605632
ROWS2D = EP // 128
SUB_ROWS = ROWS2D // 16
KB = 56
NKB = SUB_ROWS // KB
ZROWS = 200

BLK = 512
NBLK = NPAD // BLK
BLKP = 1000
NPB = N // BLKP

_f32 = jnp.float32



def _sc_mesh():
    return plsc.VectorSubcoreMesh(core_axis_name="c", subcore_axis_name="s")


ZROWS2 = 800


def _zero_acc(acc, zv, sid):
    for z in range(WB_R // ZROWS2):
        pltpu.sync_copy(zv, acc.at[pl.ds(sid * WB_R + z * ZROWS2, ZROWS2)])


def _write_back(acc, wb, out_hbm, base, sid):
    for z in range(WB_R // ZROWS2):
        pltpu.sync_copy(acc.at[pl.ds(sid * WB_R + z * ZROWS2, ZROWS2)], wb)
        pltpu.sync_copy(wb, out_hbm.at[pl.ds(base + sid * WB_R + z * ZROWS2,
                                             ZROWS2)])


@jax.jit
def _sc_count(dstloc, ones_hbm, zeros_hbm):

    @functools.partial(
        pl.kernel,
        mesh=_sc_mesh(),
        compiler_params=pltpu.CompilerParams(use_tc_tiling_on_sc=False),
        out_type=jax.ShapeDtypeStruct((NPAD, 16), _f32),
        scratch_types=[
            pltpu.VMEM((128,), jnp.int32),
            pltpu.VMEM((128,), jnp.int32),
            pltpu.VMEM((128, 16), _f32),
            pltpu.VMEM((ZROWS2, 16), _f32),
            pltpu.VMEM((ZROWS2, 16), _f32),
            pltpu.VMEM_SHARED((ACC_R, 16), _f32),
            pltpu.SemaphoreType.DMA,
            pltpu.SemaphoreType.DMA,
        ],
    )
    def k(dst_hbm, ones_h, zeros_h, out_hbm, idxd, idxd1, ones_v, zv, wb, acc,
          sem, sem1):
        cid = lax.axis_index("c")
        sid = lax.axis_index("s")
        pltpu.sync_copy(ones_h, ones_v)
        pltpu.sync_copy(zeros_h, zv)
        _zero_acc(acc, zv, sid)
        plsc.subcore_barrier()

        def start_idx(r, idxd_b, sem_b):
            rr = jnp.minimum(r, SUB_ROWS - 1)
            pltpu.async_copy(
                dst_hbm.at[cid * ROWS2D + sid * SUB_ROWS + rr], idxd_b, sem_b)

        def wait_idx(idxd_b, sem_b):
            pltpu.make_async_copy(dst_hbm.at[0], idxd_b, sem_b).wait()

        start_idx(0, idxd, sem)
        start_idx(1, idxd1, sem1)

        @pl.loop(0, SUB_ROWS // 2)
        def _(t):
            r0 = 2 * t
            wait_idx(idxd, sem)
            pltpu.sync_copy(ones_v, acc.at[idxd], add=True)
            start_idx(r0 + 2, idxd, sem)
            wait_idx(idxd1, sem1)
            pltpu.sync_copy(ones_v, acc.at[idxd1], add=True)
            start_idx(r0 + 3, idxd1, sem1)

        wait_idx(idxd, sem)
        wait_idx(idxd1, sem1)
        plsc.subcore_barrier()
        _write_back(acc, wb, out_hbm, cid * HALF, sid)

    return k(dstloc, ones_hbm, zeros_hbm)


def _sc_propagate(table, srcg, dstloc, zeros_hbm, npass):

    @functools.partial(
        pl.kernel,
        mesh=_sc_mesh(),
        compiler_params=pltpu.CompilerParams(use_tc_tiling_on_sc=False),
        out_type=jax.ShapeDtypeStruct((npass * NPAD, 16), _f32),
        scratch_types=(
            [pltpu.VMEM((128,), jnp.int32)] * 8
            + [pltpu.VMEM((128, 16), _f32)] * 4
            + [pltpu.VMEM((ZROWS2, 16), _f32)] * 2
            + [pltpu.VMEM_SHARED((ACC_R, 16), _f32)]
            + [pltpu.SemaphoreType.DMA] * 8
        ),
    )
    def k(table_hbm, src_hbm, dst_hbm, zeros_h, out_hbm,
          i_s0, i_s1, i_s2, i_s3, i_d0, i_d1, i_d2, i_d3,
          rw0, rw1, rw2, rw3, zv, wb, acc,
          mi0, mi1, mi2, mi3, mg0, mg1, mg2, mg3):
        cid = lax.axis_index("c")
        sid = lax.axis_index("s")
        pltpu.sync_copy(zeros_h, zv)
        _zero_acc(acc, zv, sid)
        isets = ((i_s0, i_d0, mi0, rw0, mg0), (i_s1, i_d1, mi1, rw1, mg1),
                 (i_s2, i_d2, mi2, rw2, mg2), (i_s3, i_d3, mi3, rw3, mg3))

        def start_idx(c, r, bset):
            idxs_b, idxd_b, sem_b = bset[0], bset[1], bset[2]
            rr = jnp.minimum(r, SUB_ROWS - 1)
            row = sid * SUB_ROWS + rr
            pltpu.async_copy(src_hbm.at[c * ROWS2D + row], idxs_b, sem_b)
            pltpu.async_copy(dst_hbm.at[cid * ROWS2D + row], idxd_b, sem_b)

        def wait_idx(bset):
            idxs_b, idxd_b, sem_b = bset[0], bset[1], bset[2]
            pltpu.make_async_copy(src_hbm.at[0], idxs_b, sem_b).wait()
            pltpu.make_async_copy(src_hbm.at[0], idxd_b, sem_b).wait()

        for c in range(npass):
            plsc.subcore_barrier()
            for b in range(4):
                start_idx(c, b, isets[b])

            @pl.loop(0, SUB_ROWS // 4)
            def _(t):
                r0 = 4 * t
                gs = []
                for b in range(4):
                    wait_idx(isets[b])
                    gs.append(pltpu.async_copy(
                        table_hbm.at[isets[b][0]], isets[b][3], isets[b][4]))
                for b in range(4):
                    gs[b].wait()
                    pltpu.sync_copy(isets[b][3], acc.at[isets[b][1]], add=True)
                    start_idx(c, r0 + 4 + b, isets[b])

            for b in range(4):
                wait_idx(isets[b])
            plsc.subcore_barrier()
            _write_back(acc, wb, out_hbm, c * NPAD + cid * HALF, sid)
            if c + 1 < npass:
                _zero_acc(acc, zv, sid)

    return k(table, srcg, dstloc, zeros_hbm)



def _tc_prep(cntp, xp16):

    def body(c_ref, x_ref, dinv_ref, g0_ref):
        dinv = lax.rsqrt(c_ref[:, 0:1] + 1.0)
        dinv_ref[...] = dinv
        g0_ref[...] = dinv * x_ref[...]

    return pl.pallas_call(
        body,
        grid=(NBLK,),
        in_specs=[
            pl.BlockSpec((BLK, 16), lambda i: (i, 0)),
            pl.BlockSpec((BLK, 16), lambda i: (i, 0)),
        ],
        out_specs=[
            pl.BlockSpec((BLK, 1), lambda i: (i, 0)),
            pl.BlockSpec((BLK, 16), lambda i: (i, 0)),
        ],
        out_shape=[
            jax.ShapeDtypeStruct((NPAD, 1), _f32),
            jax.ShapeDtypeStruct((NPAD, 16), _f32),
        ],
    )(cntp, xp16)


def _tc_dense(p, g, dinv, W, b, scale_out):
    K = W.shape[0]

    def body(p_ref, g_ref, d_ref, w_ref, b_ref, o_ref):
        d = d_ref[...]
        pre = d * (p_ref[...] + g_ref[...])
        h = jnp.dot(pre, w_ref[...], preferred_element_type=_f32) + b_ref[...]
        h = jnp.maximum(h, 0.0)
        o_ref[...] = d * h if scale_out else h

    return pl.pallas_call(
        body,
        grid=(NBLK,),
        in_specs=[
            pl.BlockSpec((BLK, K), lambda i: (i, 0)),
            pl.BlockSpec((BLK, K), lambda i: (i, 0)),
            pl.BlockSpec((BLK, 1), lambda i: (i, 0)),
            pl.BlockSpec((K, 64), lambda i: (0, 0)),
            pl.BlockSpec((1, 64), lambda i: (0, 0)),
        ],
        out_specs=pl.BlockSpec((BLK, 64), lambda i: (i, 0)),
        out_shape=jax.ShapeDtypeStruct((NPAD, 64), _f32),
    )(p, g, dinv, W, b)


def _tc_pool(h2, batchr, Wlp, blp):

    def body(h_ref, b_ref, wl_ref, bl_ref, o_ref, sums, cnts):
        i = pl.program_id(0)
        bb = b_ref[0]
        onehot_t = (lax.broadcasted_iota(jnp.int32, (NG, BLKP), 0) == bb
                    ).astype(_f32)
        dn = (((1,), (0,)), ((), ()))
        s_inc = lax.dot_general(onehot_t, h_ref[...], dn,
                                preferred_element_type=_f32)
        c_inc = lax.dot_general(onehot_t, jnp.ones((BLKP, 8), _f32), dn,
                                preferred_element_type=_f32)

        @pl.when(i == 0)
        def _():
            sums[...] = jnp.zeros_like(sums)
            cnts[...] = jnp.zeros_like(cnts)

        sums[...] += s_inc
        cnts[...] += c_inc

        @pl.when(i == NPB - 1)
        def _():
            pooled = sums[...] / jnp.maximum(cnts[...][:, 0:1], 1.0)
            o_ref[...] = jnp.dot(pooled, wl_ref[...],
                                 preferred_element_type=_f32) + bl_ref[...]

    return pl.pallas_call(
        body,
        grid=(NPB,),
        in_specs=[
            pl.BlockSpec((BLKP, 64), lambda i: (i, 0)),
            pl.BlockSpec((1, 1, BLKP), lambda i: (i, 0, 0)),
            pl.BlockSpec((64, 8), lambda i: (0, 0)),
            pl.BlockSpec((1, 8), lambda i: (0, 0)),
        ],
        out_specs=pl.BlockSpec((NG, 8), lambda i: (0, 0)),
        out_shape=jax.ShapeDtypeStruct((NG, 8), _f32),
        scratch_shapes=[
            pltpu.VMEM((NG, 64), _f32),
            pltpu.VMEM((NG, 8), _f32),
        ],
    )(h2, batchr, Wlp, blp)



def kernel(x, edge_index, batch, W1, b1, W2, b2, Wl, bl):
    src = edge_index[0].astype(jnp.int32)
    dst = edge_index[1].astype(jnp.int32)
    pad = jnp.full((EP - E,), N, jnp.int32)
    src2d = jnp.concatenate([src, pad]).reshape(ROWS2D, 128)
    dst2d = jnp.concatenate([dst, pad]).reshape(ROWS2D, 128)
    dstloc = []
    for lo in (0, HALF):
        in_half = (dst2d >= lo) & (dst2d < lo + HALF)
        dstloc.append(jnp.where(in_half, dst2d - lo,
                                HALF + (dst2d & (TRASH - 1))))
    dstloc = jnp.concatenate(dstloc)
    ones_hbm = jnp.ones((128, 16), _f32)
    zeros_hbm = jnp.zeros((ZROWS2, 16), _f32)

    xp16 = jnp.concatenate(
        [x.astype(_f32), jnp.zeros((N, 12), _f32)], axis=1)
    xp16 = jnp.concatenate([xp16, jnp.zeros((NPAD - N, 16), _f32)], axis=0)

    cntp = _sc_count(dstloc, ones_hbm, zeros_hbm)
    dinv, g0 = _tc_prep(cntp, xp16)

    p1 = _sc_propagate(g0, src2d, dstloc, zeros_hbm, 1)
    W1p = jnp.concatenate([W1.astype(_f32), jnp.zeros((12, 64), _f32)], axis=0)
    g1 = _tc_dense(p1, g0, dinv, W1p, b1.reshape(1, 64), True)

    table2 = g1.reshape(NPAD, 4, 16).transpose(1, 0, 2).reshape(4 * NPAD, 16)
    srcg2 = jnp.concatenate([src2d + c * NPAD for c in range(4)])
    p2 = _sc_propagate(table2, srcg2, dstloc, zeros_hbm, 4)
    p2t = p2.reshape(4, NPAD, 16).transpose(1, 0, 2).reshape(NPAD, 64)
    h2 = _tc_dense(p2t, g1, dinv, W2.astype(_f32), b2.reshape(1, 64), False)

    batchr = batch.astype(jnp.int32).reshape(NPB, 1, BLKP)
    Wlp = jnp.concatenate([Wl.astype(_f32), jnp.zeros((64, 7), _f32)], axis=1)
    blp = jnp.concatenate([bl.astype(_f32), jnp.zeros((7,), _f32)]).reshape(1, 8)
    out8 = _tc_pool(h2[:N], batchr, Wlp, blp)
    return out8[:, 0:1]

# --- scband reference (transcript-rebuilt; emitter-appended) ---
"""Pipeline reference for scband-gcn-27238682591744 (READ-ONLY COPY).

The authoritative reference and input builder live on the scoring server;
editing this copy changes nothing except your own understanding.
"""

import jax, jax.numpy as jnp
import numpy as np

N = 100000
E = 1600000
IN_DIM = 4
H = 64
NUM_GRAPHS = 128


def setup_inputs(seed: int = 0) -> dict:
    key = jax.random.key(seed)
    ks = jax.random.split(key, 10)
    x = jax.random.normal(ks[0], (N, IN_DIM), dtype=jnp.float32)
    edge_index = jax.random.randint(ks[1], (2, E), 0, N, dtype=jnp.int64)
    batch = jnp.sort(jax.random.randint(ks[2], (N,), 0, NUM_GRAPHS, dtype=jnp.int64))
    W1 = jax.random.normal(ks[3], (IN_DIM, H), dtype=jnp.float32) * 0.1
    b1 = jnp.zeros((H,), dtype=jnp.float32)
    W2 = jax.random.normal(ks[4], (H, H), dtype=jnp.float32) * 0.1
    b2 = jnp.zeros((H,), dtype=jnp.float32)
    Wl = jax.random.normal(ks[5], (H, 1), dtype=jnp.float32) * 0.1
    bl = jnp.zeros((1,), dtype=jnp.float32)
    return {"x": x, "edge_index": edge_index, "batch": batch,
            "W1": W1, "b1": b1, "W2": W2, "b2": b2, "Wl": Wl, "bl": bl}


def _gcn_conv(x, src, dst, W, b, n):
    # PyG GCNConv: x' = D^{-1/2} (A + I) D^{-1/2} X W + b  (self-loops already in src/dst)
    h = x @ W
    deg = jnp.zeros((n,), dtype=h.dtype).at[dst].add(1.0)
    dinv = jnp.where(deg > 0, 1.0 / jnp.sqrt(deg), 0.0)
    norm = dinv[src] * dinv[dst]
    msg = norm[:, None] * jnp.take(h, src, axis=0)
    out = jnp.zeros((n, h.shape[1]), dtype=h.dtype).at[dst].add(msg)
    return out + b


def reference(x, edge_index, batch, W1, b1, W2, b2, Wl, bl):
    n = x.shape[0]
    loop = jnp.arange(n, dtype=edge_index.dtype)
    src = jnp.concatenate([edge_index[0], loop])
    dst = jnp.concatenate([edge_index[1], loop])
    h = jax.nn.relu(_gcn_conv(x, src, dst, W1, b1, n))
    h = jax.nn.relu(_gcn_conv(h, src, dst, W2, b2, n))
    sums = jax.ops.segment_sum(h, batch, num_segments=NUM_GRAPHS)
    cnts = jax.ops.segment_sum(jnp.ones((n, 1), dtype=h.dtype), batch, num_segments=NUM_GRAPHS)
    pooled = sums / jnp.maximum(cnts, 1.0)
    return pooled @ Wl + bl

if __name__ == "__main__":
    import jax
    _d = setup_inputs()
    print(jax.jit(kernel)(*tuple(_d.values())))

</pallas_src>

<mosaic_0001>
#map = affine_map<(d0, d1) -> (0, 0)>
module attributes {stable_mosaic.version = 14 : i64} {
  func.func @k(%arg0: i32, %arg1: i32, %arg2: memref<25088x128xi32, #tpu.memory_space<hbm>>, %arg3: memref<128x16xf32, #tpu.memory_space<hbm>>, %arg4: memref<800x16xf32, #tpu.memory_space<hbm>>, %arg5: memref<102400x16xf32, #tpu.memory_space<hbm>>, %arg6: memref<128xi32, #tpu.memory_space<vmem>>, %arg7: memref<128xi32, #tpu.memory_space<vmem>>, %arg8: memref<128x16xf32, #tpu.memory_space<vmem>>, %arg9: memref<800x16xf32, #tpu.memory_space<vmem>>, %arg10: memref<800x16xf32, #tpu.memory_space<vmem>>, %arg11: memref<52224x16xf32, #tpu.memory_space<vmem_shared>>, %arg12: memref<!tpu.dma_semaphore, #tpu.memory_space<semaphore_mem>>, %arg13: memref<!tpu.dma_semaphore, #tpu.memory_space<semaphore_mem>>) attributes {dimension_semantics = [#tpu.dimension_semantics<core_parallel>, #tpu.dimension_semantics<subcore_parallel>], iteration_bounds = array<i64: 2, 16>, scalar_prefetch = 0 : i64, scratch_operands = 8 : i64, tpu.core_type = #tpu.core_type<sc_vector_subcore>, window_params = [{transform_indices = #map}, {transform_indices = #map}, {transform_indices = #map}, {transform_indices = #map}]} {
    "tpu.region"() ({
      %run_scoped3A = tpu.sem_alloc : memref<!tpu.dma_semaphore, #tpu.memory_space<semaphore_mem>>
      tpu.enqueue_dma source(%arg3 : memref<128x16xf32, #tpu.memory_space<hbm>>) target(%arg8 : memref<128x16xf32, #tpu.memory_space<vmem>>) target_semaphore(%run_scoped3A : memref<!tpu.dma_semaphore, #tpu.memory_space<semaphore_mem>>)
      tpu.wait_dma2 semaphore(%run_scoped3A : memref<!tpu.dma_semaphore, #tpu.memory_space<semaphore_mem>>) src(%arg3 : memref<128x16xf32, #tpu.memory_space<hbm>>) dst(%arg8 : memref<128x16xf32, #tpu.memory_space<vmem>>)
      tpu.yield
    }) : () -> ()
    "tpu.region"() ({
      %run_scoped3A = tpu.sem_alloc : memref<!tpu.dma_semaphore, #tpu.memory_space<semaphore_mem>>
      tpu.enqueue_dma source(%arg4 : memref<800x16xf32, #tpu.memory_space<hbm>>) target(%arg9 : memref<800x16xf32, #tpu.memory_space<vmem>>) target_semaphore(%run_scoped3A : memref<!tpu.dma_semaphore, #tpu.memory_space<semaphore_mem>>)
      tpu.wait_dma2 semaphore(%run_scoped3A : memref<!tpu.dma_semaphore, #tpu.memory_space<semaphore_mem>>) src(%arg4 : memref<800x16xf32, #tpu.memory_space<hbm>>) dst(%arg9 : memref<800x16xf32, #tpu.memory_space<vmem>>)
      tpu.yield
    }) : () -> ()
    %mul3A = arith.constant 3200 : i32
    %mul3A_0 = arith.muli %arg1, %mul3A : i32
    %add3A = arith.constant 0 : i32
    %add3A_1 = arith.addi %mul3A_0, %add3A : i32
    "tpu.region"() ({
      %run_scoped3A = tpu.sem_alloc : memref<!tpu.dma_semaphore, #tpu.memory_space<semaphore_mem>>
      %dma_start3A_98 = arith.constant 0 : i32
      %dma_start3A_99 = tpu.memref_slice %arg11[%add3A_1, %dma_start3A_98] : memref<52224x16xf32, #tpu.memory_space<vmem_shared>> -> memref<800x16xf32, #tpu.memory_space<vmem_shared>>
      %dma_start3A_100 = arith.constant 0 : i32
      %dma_start3A_101 = tpu.memref_slice %arg11[%add3A_1, %dma_start3A_100] : memref<52224x16xf32, #tpu.memory_space<vmem_shared>> -> memref<800x16xf32, #tpu.memory_space<vmem_shared>>
      tpu.enqueue_dma source(%arg9 : memref<800x16xf32, #tpu.memory_space<vmem>>) target(%dma_start3A_101 : memref<800x16xf32, #tpu.memory_space<vmem_shared>>) target_semaphore(%run_scoped3A : memref<!tpu.dma_semaphore, #tpu.memory_space<semaphore_mem>>)
      %dma_wait3A_102 = arith.constant 0 : i32
      %dma_wait3A_103 = tpu.memref_slice %arg11[%add3A_1, %dma_wait3A_102] : memref<52224x16xf32, #tpu.memory_space<vmem_shared>> -> memref<800x16xf32, #tpu.memory_space<vmem_shared>>
      %dma_wait3A_104 = arith.constant 0 : i32
      %dma_wait3A_105 = tpu.memref_slice %arg11[%add3A_1, %dma_wait3A_104] : memref<52224x16xf32, #tpu.memory_space<vmem_shared>> -> memref<800x16xf32, #tpu.memory_space<vmem_shared>>
      tpu.wait_dma2 semaphore(%run_scoped3A : memref<!tpu.dma_semaphore, #tpu.memory_space<semaphore_mem>>) src(%arg9 : memref<800x16xf32, #tpu.memory_space<vmem>>) dst(%dma_wait3A_105 : memref<800x16xf32, #tpu.memory_space<vmem_shared>>)
      tpu.yield
    }) : () -> ()
    %mul3A_2 = arith.constant 3200 : i32
    %mul3A_3 = arith.muli %arg1, %mul3A_2 : i32
    %add3A_4 = arith.constant 800 : i32
    %add3A_5 = arith.addi %mul3A_3, %add3A_4 : i32
    "tpu.region"() ({
      %run_scoped3A = tpu.sem_alloc : memref<!tpu.dma_semaphore, #tpu.memory_space<semaphore_mem>>
      %dma_start3A_98 = arith.constant 0 : i32
      %dma_start3A_99 = tpu.memref_slice %arg11[%add3A_5, %dma_start3A_98] : memref<52224x16xf32, #tpu.memory_space<vmem_shared>> -> memref<800x16xf32, #tpu.memory_space<vmem_shared>>
      %dma_start3A_100 = arith.constant 0 : i32
      %dma_start3A_101 = tpu.memref_slice %arg11[%add3A_5, %dma_start3A_100] : memref<52224x16xf32, #tpu.memory_space<vmem_shared>> -> memref<800x16xf32, #tpu.memory_space<vmem_shared>>
      tpu.enqueue_dma source(%arg9 : memref<800x16xf32, #tpu.memory_space<vmem>>) target(%dma_start3A_101 : memref<800x16xf32, #tpu.memory_space<vmem_shared>>) target_semaphore(%run_scoped3A : memref<!tpu.dma_semaphore, #tpu.memory_space<semaphore_mem>>)
      %dma_wait3A_102 = arith.constant 0 : i32
      %dma_wait3A_103 = tpu.memref_slice %arg11[%add3A_5, %dma_wait3A_102] : memref<52224x16xf32, #tpu.memory_space<vmem_shared>> -> memref<800x16xf32, #tpu.memory_space<vmem_shared>>
      %dma_wait3A_104 = arith.constant 0 : i32
      %dma_wait3A_105 = tpu.memref_slice %arg11[%add3A_5, %dma_wait3A_104] : memref<52224x16xf32, #tpu.memory_space<vmem_shared>> -> memref<800x16xf32, #tpu.memory_space<vmem_shared>>
      tpu.wait_dma2 semaphore(%run_scoped3A : memref<!tpu.dma_semaphore, #tpu.memory_space<semaphore_mem>>) src(%arg9 : memref<800x16xf32, #tpu.memory_space<vmem>>) dst(%dma_wait3A_105 : memref<800x16xf32, #tpu.memory_space<vmem_shared>>)
      tpu.yield
    }) : () -> ()
    %mul3A_6 = arith.constant 3200 : i32
    %mul3A_7 = arith.muli %arg1, %mul3A_6 : i32
    %add3A_8 = arith.constant 1600 : i32
    %add3A_9 = arith.addi %mul3A_7, %add3A_8 : i32
    "tpu.region"() ({
      %run_scoped3A = tpu.sem_alloc : memref<!tpu.dma_semaphore, #tpu.memory_space<semaphore_mem>>
      %dma_start3A_98 = arith.constant 0 : i32
      %dma_start3A_99 = tpu.memref_slice %arg11[%add3A_9, %dma_start3A_98] : memref<52224x16xf32, #tpu.memory_space<vmem_shared>> -> memref<800x16xf32, #tpu.memory_space<vmem_shared>>
      %dma_start3A_100 = arith.constant 0 : i32
      %dma_start3A_101 = tpu.memref_slice %arg11[%add3A_9, %dma_start3A_100] : memref<52224x16xf32, #tpu.memory_space<vmem_shared>> -> memref<800x16xf32, #tpu.memory_space<vmem_shared>>
      tpu.enqueue_dma source(%arg9 : memref<800x16xf32, #tpu.memory_space<vmem>>) target(%dma_start3A_101 : memref<800x16xf32, #tpu.memory_space<vmem_shared>>) target_semaphore(%run_scoped3A : memref<!tpu.dma_semaphore, #tpu.memory_space<semaphore_mem>>)
      %dma_wait3A_102 = arith.constant 0 : i32
      %dma_wait3A_103 = tpu.memref_slice %arg11[%add3A_9, %dma_wait3A_102] : memref<52224x16xf32, #tpu.memory_space<vmem_shared>> -> memref<800x16xf32, #tpu.memory_space<vmem_shared>>
      %dma_wait3A_104 = arith.constant 0 : i32
      %dma_wait3A_105 = tpu.memref_slice %arg11[%add3A_9, %dma_wait3A_104] : memref<52224x16xf32, #tpu.memory_space<vmem_shared>> -> memref<800x16xf32, #tpu.memory_space<vmem_shared>>
      tpu.wait_dma2 semaphore(%run_scoped3A : memref<!tpu.dma_semaphore, #tpu.memory_space<semaphore_mem>>) src(%arg9 : memref<800x16xf32, #tpu.memory_space<vmem>>) dst(%dma_wait3A_105 : memref<800x16xf32, #tpu.memory_space<vmem_shared>>)
      tpu.yield
    }) : () -> ()
    %mul3A_10 = arith.constant 3200 : i32
    %mul3A_11 = arith.muli %arg1, %mul3A_10 : i32
    %add3A_12 = arith.constant 2400 : i32
    %add3A_13 = arith.addi %mul3A_11, %add3A_12 : i32
    "tpu.region"() ({
      %run_scoped3A = tpu.sem_alloc : memref<!tpu.dma_semaphore, #tpu.memory_space<semaphore_mem>>
      %dma_start3A_98 = arith.constant 0 : i32
      %dma_start3A_99 = tpu.memref_slice %arg11[%add3A_13, %dma_start3A_98] : memref<52224x16xf32, #tpu.memory_space<vmem_shared>> -> memref<800x16xf32, #tpu.memory_space<vmem_shared>>
      %dma_start3A_100 = arith.constant 0 : i32
      %dma_start3A_101 = tpu.memref_slice %arg11[%add3A_13, %dma_start3A_100] : memref<52224x16xf32, #tpu.memory_space<vmem_shared>> -> memref<800x16xf32, #tpu.memory_space<vmem_shared>>
      tpu.enqueue_dma source(%arg9 : memref<800x16xf32, #tpu.memory_space<vmem>>) target(%dma_start3A_101 : memref<800x16xf32, #tpu.memory_space<vmem_shared>>) target_semaphore(%run_scoped3A : memref<!tpu.dma_semaphore, #tpu.memory_space<semaphore_mem>>)
      %dma_wait3A_102 = arith.constant 0 : i32
      %dma_wait3A_103 = tpu.memref_slice %arg11[%add3A_13, %dma_wait3A_102] : memref<52224x16xf32, #tpu.memory_space<vmem_shared>> -> memref<800x16xf32, #tpu.memory_space<vmem_shared>>
      %dma_wait3A_104 = arith.constant 0 : i32
      %dma_wait3A_105 = tpu.memref_slice %arg11[%add3A_13, %dma_wait3A_104] : memref<52224x16xf32, #tpu.memory_space<vmem_shared>> -> memref<800x16xf32, #tpu.memory_space<vmem_shared>>
      tpu.wait_dma2 semaphore(%run_scoped3A : memref<!tpu.dma_semaphore, #tpu.memory_space<semaphore_mem>>) src(%arg9 : memref<800x16xf32, #tpu.memory_space<vmem>>) dst(%dma_wait3A_105 : memref<800x16xf32, #tpu.memory_space<vmem_shared>>)
      tpu.yield
    }) : () -> ()
    %barrier3A = arith.constant 0 : index
    tpu.barrier barrier_id(%barrier3A)
    %min3A = arith.constant 0 : i32
    %min3A_14 = arith.constant 783 : i32
    %min3A_15 = arith.minsi %min3A, %min3A_14 : i32
    %mul3A_16 = arith.constant 12544 : i32
    %mul3A_17 = arith.muli %arg0, %mul3A_16 : i32
    %mul3A_18 = arith.constant 784 : i32
    %mul3A_19 = arith.muli %arg1, %mul3A_18 : i32
    %add3A_20 = arith.addi %mul3A_17, %mul3A_19 : i32
    %add3A_21 = arith.addi %add3A_20, %min3A_15 : i32
    %dma_start3A = arith.constant 0 : i32
    %dma_start3A_22 = tpu.memref_slice %arg2[%add3A_21, %dma_start3A] : memref<25088x128xi32, #tpu.memory_space<hbm>> -> memref<1x128xi32, #tpu.memory_space<hbm>>
    %dma_start3A_23 = tpu.memref_squeeze %dma_start3A_22 : memref<1x128xi32, #tpu.memory_space<hbm>> -> memref<128xi32, #tpu.memory_space<hbm>>
    %dma_start3A_24 = arith.constant 0 : i32
    %dma_start3A_25 = tpu.memref_slice %arg2[%add3A_21, %dma_start3A_24] : memref<25088x128xi32, #tpu.memory_space<hbm>> -> memref<1x128xi32, #tpu.memory_space<hbm>>
    %dma_start3A_26 = tpu.memref_squeeze %dma_start3A_25 : memref<1x128xi32, #tpu.memory_space<hbm>> -> memref<128xi32, #tpu.memory_space<hbm>>
    tpu.enqueue_dma source(%dma_start3A_26 : memref<128xi32, #tpu.memory_space<hbm>>) target(%arg6 : memref<128xi32, #tpu.memory_space<vmem>>) target_semaphore(%arg12 : memref<!tpu.dma_semaphore, #tpu.memory_space<semaphore_mem>>)
    %min3A_27 = arith.constant 1 : i32
    %min3A_28 = arith.constant 783 : i32
    %min3A_29 = arith.minsi %min3A_27, %min3A_28 : i32
    %mul3A_30 = arith.constant 12544 : i32
    %mul3A_31 = arith.muli %arg0, %mul3A_30 : i32
    %mul3A_32 = arith.constant 784 : i32
    %mul3A_33 = arith.muli %arg1, %mul3A_32 : i32
    %add3A_34 = arith.addi %mul3A_31, %mul3A_33 : i32
    %add3A_35 = arith.addi %add3A_34, %min3A_29 : i32
    %dma_start3A_36 = arith.constant 0 : i32
    %dma_start3A_37 = tpu.memref_slice %arg2[%add3A_35, %dma_start3A_36] : memref<25088x128xi32, #tpu.memory_space<hbm>> -> memref<1x128xi32, #tpu.memory_space<hbm>>
    %dma_start3A_38 = tpu.memref_squeeze %dma_start3A_37 : memref<1x128xi32, #tpu.memory_space<hbm>> -> memref<128xi32, #tpu.memory_space<hbm>>
    %dma_start3A_39 = arith.constant 0 : i32
    %dma_start3A_40 = tpu.memref_slice %arg2[%add3A_35, %dma_start3A_39] : memref<25088x128xi32, #tpu.memory_space<hbm>> -> memref<1x128xi32, #tpu.memory_space<hbm>>
    %dma_start3A_41 = tpu.memref_squeeze %dma_start3A_40 : memref<1x128xi32, #tpu.memory_space<hbm>> -> memref<128xi32, #tpu.memory_space<hbm>>
    tpu.enqueue_dma source(%dma_start3A_41 : memref<128xi32, #tpu.memory_space<hbm>>) target(%arg7 : memref<128xi32, #tpu.memory_space<vmem>>) target_semaphore(%arg13 : memref<!tpu.dma_semaphore, #tpu.memory_space<semaphore_mem>>)
    %scan3A = arith.constant 0 : i32
    %scan3A_42 = arith.constant 392 : i32
    %scan3A_43 = arith.addi %scan3A, %scan3A_42 : i32
    %scan3A_44 = arith.constant 1 : i32
    scf.for %scan3A_98 = %scan3A to %scan3A_43 step %scan3A_44  : i32 {
      %mul3A_99 = arith.constant 1 : i32
      %mul3A_100 = arith.muli %scan3A_98, %mul3A_99 : i32
      %add3A_101 = arith.constant 0 : i32
      %add3A_102 = arith.addi %add3A_101, %mul3A_100 : i32
      %mul3A_103 = arith.constant 2 : i32
      %mul3A_104 = arith.muli %mul3A_103, %add3A_102 : i32
      %dma_wait3A_105 = arith.constant 0 : i32
      %dma_wait3A_106 = arith.constant 0 : i32
      %dma_wait3A_107 = tpu.memref_slice %arg2[%dma_wait3A_105, %dma_wait3A_106] : memref<25088x128xi32, #tpu.memory_space<hbm>> -> memref<1x128xi32, #tpu.memory_space<hbm>>
      %dma_wait3A_108 = tpu.memref_squeeze %dma_wait3A_107 : memref<1x128xi32, #tpu.memory_space<hbm>> -> memref<128xi32, #tpu.memory_space<hbm>>
      %dma_wait3A_109 = arith.constant 0 : i32
      %dma_wait3A_110 = tpu.memref_slice %arg2[%dma_wait3A_105, %dma_wait3A_109] : memref<25088x128xi32, #tpu.memory_space<hbm>> -> memref<1x128xi32, #tpu.memory_space<hbm>>
      %dma_wait3A_111 = tpu.memref_squeeze %dma_wait3A_110 : memref<1x128xi32, #tpu.memory_space<hbm>> -> memref<128xi32, #tpu.memory_space<hbm>>
      tpu.wait_dma2 semaphore(%arg12 : memref<!tpu.dma_semaphore, #tpu.memory_space<semaphore_mem>>) src(%dma_wait3A_111 : memref<128xi32, #tpu.memory_space<hbm>>) dst(%arg6 : memref<128xi32, #tpu.memory_space<vmem>>)
      "tpu.region"() ({
        %run_scoped3A = tpu.sem_alloc : memref<!tpu.dma_semaphore, #tpu.memory_space<semaphore_mem>>
        %dma_start3A_151 = arith.constant 0 : i32
        %dma_start3A_152 = arith.constant 0 : i32
        %dma_start3A_153 = tpu.memref_slice %arg11[%dma_start3A_151, %dma_start3A_152] : memref<52224x16xf32, #tpu.memory_space<vmem_shared>> -> memref<52224x16xf32, #tpu.memory_space<vmem_shared>>
        tpu.enqueue_indirect_dma source(%arg8 : memref<128x16xf32, #tpu.memory_space<vmem>>) target(%dma_start3A_153 : memref<52224x16xf32, #tpu.memory_space<vmem_shared>>) offsets(%arg6 : memref<128xi32, #tpu.memory_space<vmem>>) semaphore(%run_scoped3A : memref<!tpu.dma_semaphore, #tpu.memory_space<semaphore_mem>>) {add = true}
        %dma_wait3A_154 = arith.constant 0 : i32
        %dma_wait3A_155 = arith.constant 0 : i32
        %dma_wait3A_156 = tpu.memref_slice %arg11[%dma_wait3A_154, %dma_wait3A_155] : memref<52224x16xf32, #tpu.memory_space<vmem_shared>> -> memref<52224x16xf32, #tpu.memory_space<vmem_shared>>
        tpu.wait_indirect_dma semaphore(%run_scoped3A : memref<!tpu.dma_semaphore, #tpu.memory_space<semaphore_mem>>) src(%arg8 : memref<128x16xf32, #tpu.memory_space<vmem>>) dst(%dma_wait3A_156 : memref<52224x16xf32, #tpu.memory_space<vmem_shared>>)
        tpu.yield
      }) : () -> ()
      %add3A_112 = arith.constant 2 : i32
      %add3A_113 = arith.addi %mul3A_104, %add3A_112 : i32
      %min3A_114 = arith.constant 783 : i32
      %min3A_115 = arith.minsi %add3A_113, %min3A_114 : i32
      %mul3A_116 = arith.constant 12544 : i32
      %mul3A_117 = arith.muli %arg0, %mul3A_116 : i32
      %mul3A_118 = arith.constant 784 : i32
      %mul3A_119 = arith.muli %arg1, %mul3A_118 : i32
      %add3A_120 = arith.addi %mul3A_117, %mul3A_119 : i32
      %add3A_121 = arith.addi %add3A_120, %min3A_115 : i32
      %dma_start3A_122 = arith.constant 0 : i32
      %dma_start3A_123 = tpu.memref_slice %arg2[%add3A_121, %dma_start3A_122] : memref<25088x128xi32, #tpu.memory_space<hbm>> -> memref<1x128xi32, #tpu.memory_space<hbm>>
      %dma_start3A_124 = tpu.memref_squeeze %dma_start3A_123 : memref<1x128xi32, #tpu.memory_space<hbm>> -> memref<128xi32, #tpu.memory_space<hbm>>
      %dma_start3A_125 = arith.constant 0 : i32
      %dma_start3A_126 = tpu.memref_slice %arg2[%add3A_121, %dma_start3A_125] : memref<25088x128xi32, #tpu.memory_space<hbm>> -> memref<1x128xi32, #tpu.memory_space<hbm>>
      %dma_start3A_127 = tpu.memref_squeeze %dma_start3A_126 : memref<1x128xi32, #tpu.memory_space<hbm>> -> memref<128xi32, #tpu.memory_space<hbm>>
      tpu.enqueue_dma source(%dma_start3A_127 : memref<128xi32, #tpu.memory_space<hbm>>) target(%arg6 : memref<128xi32, #tpu.memory_space<vmem>>) target_semaphore(%arg12 : memref<!tpu.dma_semaphore, #tpu.memory_space<semaphore_mem>>)
      %dma_wait3A_128 = arith.constant 0 : i32
      %dma_wait3A_129 = arith.constant 0 : i32
      %dma_wait3A_130 = tpu.memref_slice %arg2[%dma_wait3A_128, %dma_wait3A_129] : memref<25088x128xi32, #tpu.memory_space<hbm>> -> memref<1x128xi32, #tpu.memory_space<hbm>>
      %dma_wait3A_131 = tpu.memref_squeeze %dma_wait3A_130 : memref<1x128xi32, #tpu.memory_space<hbm>> -> memref<128xi32, #tpu.memory_space<hbm>>
      %dma_wait3A_132 = arith.constant 0 : i32
      %dma_wait3A_133 = tpu.memref_slice %arg2[%dma_wait3A_128, %dma_wait3A_132] : memref<25088x128xi32, #tpu.memory_space<hbm>> -> memref<1x128xi32, #tpu.memory_space<hbm>>
      %dma_wait3A_134 = tpu.memref_squeeze %dma_wait3A_133 : memref<1x128xi32, #tpu.memory_space<hbm>> -> memref<128xi32, #tpu.memory_space<hbm>>
      tpu.wait_dma2 semaphore(%arg13 : memref<!tpu.dma_semaphore, #tpu.memory_space<semaphore_mem>>) src(%dma_wait3A_134 : memref<128xi32, #tpu.memory_space<hbm>>) dst(%arg7 : memref<128xi32, #tpu.memory_space<vmem>>)
      "tpu.region"() ({
        %run_scoped3A = tpu.sem_alloc : memref<!tpu.dma_semaphore, #tpu.memory_space<semaphore_mem>>
        %dma_start3A_151 = arith.constant 0 : i32
        %dma_start3A_152 = arith.constant 0 : i32
        %dma_start3A_153 = tpu.memref_slice %arg11[%dma_start3A_151, %dma_start3A_152] : memref<52224x16xf32, #tpu.memory_space<vmem_shared>> -> memref<52224x16xf32, #tpu.memory_space<vmem_shared>>
        tpu.enqueue_indirect_dma source(%arg8 : memref<128x16xf32, #tpu.memory_space<vmem>>) target(%dma_start3A_153 : memref<52224x16xf32, #tpu.memory_space<vmem_shared>>) offsets(%arg7 : memref<128xi32, #tpu.memory_space<vmem>>) semaphore(%run_scoped3A : memref<!tpu.dma_semaphore, #tpu.memory_space<semaphore_mem>>) {add = true}
        %dma_wait3A_154 = arith.constant 0 : i32
        %dma_wait3A_155 = arith.constant 0 : i32
        %dma_wait3A_156 = tpu.memref_slice %arg11[%dma_wait3A_154, %dma_wait3A_155] : memref<52224x16xf32, #tpu.memory_space<vmem_shared>> -> memref<52224x16xf32, #tpu.memory_space<vmem_shared>>
        tpu.wait_indirect_dma semaphore(%run_scoped3A : memref<!tpu.dma_semaphore, #tpu.memory_space<semaphore_mem>>) src(%arg8 : memref<128x16xf32, #tpu.memory_space<vmem>>) dst(%dma_wait3A_156 : memref<52224x16xf32, #tpu.memory_space<vmem_shared>>)
        tpu.yield
      }) : () -> ()
      %add3A_135 = arith.constant 3 : i32
      %add3A_136 = arith.addi %mul3A_104, %add3A_135 : i32
      %min3A_137 = arith.constant 783 : i32
      %min3A_138 = arith.minsi %add3A_136, %min3A_137 : i32
      %mul3A_139 = arith.constant 12544 : i32
      %mul3A_140 = arith.muli %arg0, %mul3A_139 : i32
      %mul3A_141 = arith.constant 784 : i32
      %mul3A_142 = arith.muli %arg1, %mul3A_141 : i32
      %add3A_143 = arith.addi %mul3A_140, %mul3A_142 : i32
      %add3A_144 = arith.addi %add3A_143, %min3A_138 : i32
      %dma_start3A_145 = arith.constant 0 : i32
      %dma_start3A_146 = tpu.memref_slice %arg2[%add3A_144, %dma_start3A_145] : memref<25088x128xi32, #tpu.memory_space<hbm>> -> memref<1x128xi32, #tpu.memory_space<hbm>>
      %dma_start3A_147 = tpu.memref_squeeze %dma_start3A_146 : memref<1x128xi32, #tpu.memory_space<hbm>> -> memref<128xi32, #tpu.memory_space<hbm>>
      %dma_start3A_148 = arith.constant 0 : i32
      %dma_start3A_149 = tpu.memref_slice %arg2[%add3A_144, %dma_start3A_148] : memref<25088x128xi32, #tpu.memory_space<hbm>> -> memref<1x128xi32, #tpu.memory_space<hbm>>
      %dma_start3A_150 = tpu.memref_squeeze %dma_start3A_149 : memref<1x128xi32, #tpu.memory_space<hbm>> -> memref<128xi32, #tpu.memory_space<hbm>>
      tpu.enqueue_dma source(%dma_start3A_150 : memref<128xi32, #tpu.memory_space<hbm>>) target(%arg7 : memref<128xi32, #tpu.memory_space<vmem>>) target_semaphore(%arg13 : memref<!tpu.dma_semaphore, #tpu.memory_space<semaphore_mem>>)
    }
    %scan3A_45 = arith.constant 392 : i32
    %dma_wait3A = arith.constant 0 : i32
    %dma_wait3A_46 = arith.constant 0 : i32
    %dma_wait3A_47 = tpu.memref_slice %arg2[%dma_wait3A, %dma_wait3A_46] : memref<25088x128xi32, #tpu.memory_space<hbm>> -> memref<1x128xi32, #tpu.memory_space<hbm>>
    %dma_wait3A_48 = tpu.memref_squeeze %dma_wait3A_47 : memref<1x128xi32, #tpu.memory_space<hbm>> -> memref<128xi32, #tpu.memory_space<hbm>>
    %dma_wait3A_49 = arith.constant 0 : i32
    %dma_wait3A_50 = tpu.memref_slice %arg2[%dma_wait3A, %dma_wait3A_49] : memref<25088x128xi32, #tpu.memory_space<hbm>> -> memref<1x128xi32, #tpu.memory_space<hbm>>
    %dma_wait3A_51 = tpu.memref_squeeze %dma_wait3A_50 : memref<1x128xi32, #tpu.memory_space<hbm>> -> memref<128xi32, #tpu.memory_space<hbm>>
    tpu.wait_dma2 semaphore(%arg12 : memref<!tpu.dma_semaphore, #tpu.memory_space<semaphore_mem>>) src(%dma_wait3A_51 : memref<128xi32, #tpu.memory_space<hbm>>) dst(%arg6 : memref<128xi32, #tpu.memory_space<vmem>>)
    %dma_wait3A_52 = arith.constant 0 : i32
    %dma_wait3A_53 = arith.constant 0 : i32
    %dma_wait3A_54 = tpu.memref_slice %arg2[%dma_wait3A_52, %dma_wait3A_53] : memref<25088x128xi32, #tpu.memory_space<hbm>> -> memref<1x128xi32, #tpu.memory_space<hbm>>
    %dma_wait3A_55 = tpu.memref_squeeze %dma_wait3A_54 : memref<1x128xi32, #tpu.memory_space<hbm>> -> memref<128xi32, #tpu.memory_space<hbm>>
    %dma_wait3A_56 = arith.constant 0 : i32
    %dma_wait3A_57 = tpu.memref_slice %arg2[%dma_wait3A_52, %dma_wait3A_56] : memref<25088x128xi32, #tpu.memory_space<hbm>> -> memref<1x128xi32, #tpu.memory_space<hbm>>
    %dma_wait3A_58 = tpu.memref_squeeze %dma_wait3A_57 : memref<1x128xi32, #tpu.memory_space<hbm>> -> memref<128xi32, #tpu.memory_space<hbm>>
    tpu.wait_dma2 semaphore(%arg13 : memref<!tpu.dma_semaphore, #tpu.memory_space<semaphore_mem>>) src(%dma_wait3A_58 : memref<128xi32, #tpu.memory_space<hbm>>) dst(%arg7 : memref<128xi32, #tpu.memory_space<vmem>>)
    %barrier3A_59 = arith.constant 0 : index
    tpu.barrier barrier_id(%barrier3A_59)
    %mul3A_60 = arith.constant 51200 : i32
    %mul3A_61 = arith.muli %arg0, %mul3A_60 : i32
    %mul3A_62 = arith.constant 3200 : i32
    %mul3A_63 = arith.muli %arg1, %mul3A_62 : i32
    %add3A_64 = arith.constant 0 : i32
    %add3A_65 = arith.addi %mul3A_63, %add3A_64 : i32
    "tpu.region"() ({
      %run_scoped3A = tpu.sem_alloc : memref<!tpu.dma_semaphore, #tpu.memory_space<semaphore_mem>>
      %dma_start3A_98 = arith.constant 0 : i32
      %dma_start3A_99 = tpu.memref_slice %arg11[%add3A_65, %dma_start3A_98] : memref<52224x16xf32, #tpu.memory_space<vmem_shared>> -> memref<800x16xf32, #tpu.memory_space<vmem_shared>>
      %dma_start3A_100 = arith.constant 0 : i32
      %dma_start3A_101 = tpu.memref_slice %arg11[%add3A_65, %dma_start3A_100] : memref<52224x16xf32, #tpu.memory_space<vmem_shared>> -> memref<800x16xf32, #tpu.memory_space<vmem_shared>>
      tpu.enqueue_dma source(%dma_start3A_101 : memref<800x16xf32, #tpu.memory_space<vmem_shared>>) target(%arg10 : memref<800x16xf32, #tpu.memory_space<vmem>>) target_semaphore(%run_scoped3A : memref<!tpu.dma_semaphore, #tpu.memory_space<semaphore_mem>>)
      %dma_wait3A_102 = arith.constant 0 : i32
      %dma_wait3A_103 = tpu.memref_slice %arg11[%add3A_65, %dma_wait3A_102] : memref<52224x16xf32, #tpu.memory_space<vmem_shared>> -> memref<800x16xf32, #tpu.memory_space<vmem_shared>>
      %dma_wait3A_104 = arith.constant 0 : i32
      %dma_wait3A_105 = tpu.memref_slice %arg11[%add3A_65, %dma_wait3A_104] : memref<52224x16xf32, #tpu.memory_space<vmem_shared>> -> memref<800x16xf32, #tpu.memory_space<vmem_shared>>
      tpu.wait_dma2 semaphore(%run_scoped3A : memref<!tpu.dma_semaphore, #tpu.memory_space<semaphore_mem>>) src(%dma_wait3A_105 : memref<800x16xf32, #tpu.memory_space<vmem_shared>>) dst(%arg10 : memref<800x16xf32, #tpu.memory_space<vmem>>)
      tpu.yield
    }) : () -> ()
    %mul3A_66 = arith.constant 3200 : i32
    %mul3A_67 = arith.muli %arg1, %mul3A_66 : i32
    %add3A_68 = arith.addi %mul3A_61, %mul3A_67 : i32
    %add3A_69 = arith.constant 0 : i32
    %add3A_70 = arith.addi %add3A_68, %add3A_69 : i32
    "tpu.region"() ({
      %run_scoped3A = tpu.sem_alloc : memref<!tpu.dma_semaphore, #tpu.memory_space<semaphore_mem>>
      %dma_start3A_98 = arith.constant 0 : i32
      %dma_start3A_99 = tpu.memref_slice %arg5[%add3A_70, %dma_start3A_98] : memref<102400x16xf32, #tpu.memory_space<hbm>> -> memref<800x16xf32, #tpu.memory_space<hbm>>
      %dma_start3A_100 = arith.constant 0 : i32
      %dma_start3A_101 = tpu.memref_slice %arg5[%add3A_70, %dma_start3A_100] : memref<102400x16xf32, #tpu.memory_space<hbm>> -> memref<800x16xf32, #tpu.memory_space<hbm>>
      tpu.enqueue_dma source(%arg10 : memref<800x16xf32, #tpu.memory_space<vmem>>) target(%dma_start3A_101 : memref<800x16xf32, #tpu.memory_space<hbm>>) target_semaphore(%run_scoped3A : memref<!tpu.dma_semaphore, #tpu.memory_space<semaphore_mem>>)
      %dma_wait3A_102 = arith.constant 0 : i32
      %dma_wait3A_103 = tpu.memref_slice %arg5[%add3A_70, %dma_wait3A_102] : memref<102400x16xf32, #tpu.memory_space<hbm>> -> memref<800x16xf32, #tpu.memory_space<hbm>>
      %dma_wait3A_104 = arith.constant 0 : i32
      %dma_wait3A_105 = tpu.memref_slice %arg5[%add3A_70, %dma_wait3A_104] : memref<102400x16xf32, #tpu.memory_space<hbm>> -> memref<800x16xf32, #tpu.memory_space<hbm>>
      tpu.wait_dma2 semaphore(%run_scoped3A : memref<!tpu.dma_semaphore, #tpu.memory_space<semaphore_mem>>) src(%arg10 : memref<800x16xf32, #tpu.memory_space<vmem>>) dst(%dma_wait3A_105 : memref<800x16xf32, #tpu.memory_space<hbm>>)
      tpu.yield
    }) : () -> ()
    %mul3A_71 = arith.constant 3200 : i32
    %mul3A_72 = arith.muli %arg1, %mul3A_71 : i32
    %add3A_73 = arith.constant 800 : i32
    %add3A_74 = arith.addi %mul3A_72, %add3A_73 : i32
    "tpu.region"() ({
      %run_scoped3A = tpu.sem_alloc : memref<!tpu.dma_semaphore, #tpu.memory_space<semaphore_mem>>
      %dma_start3A_98 = arith.constant 0 : i32
      %dma_start3A_99 = tpu.memref_slice %arg11[%add3A_74, %dma_start3A_98] : memref<52224x16xf32, #tpu.memory_space<vmem_shared>> -> memref<800x16xf32, #tpu.memory_space<vmem_shared>>
      %dma_start3A_100 = arith.constant 0 : i32
      %dma_start3A_101 = tpu.memref_slice %arg11[%add3A_74, %dma_start3A_100] : memref<52224x16xf32, #tpu.memory_space<vmem_shared>> -> memref<800x16xf32, #tpu.memory_space<vmem_shared>>
      tpu.enqueue_dma source(%dma_start3A_101 : memref<800x16xf32, #tpu.memory_space<vmem_shared>>) target(%arg10 : memref<800x16xf32, #tpu.memory_space<vmem>>) target_semaphore(%run_scoped3A : memref<!tpu.dma_semaphore, #tpu.memory_space<semaphore_mem>>)
      %dma_wait3A_102 = arith.constant 0 : i32
      %dma_wait3A_103 = tpu.memref_slice %arg11[%add3A_74, %dma_wait3A_102] : memref<52224x16xf32, #tpu.memory_space<vmem_shared>> -> memref<800x16xf32, #tpu.memory_space<vmem_shared>>
      %dma_wait3A_104 = arith.constant 0 : i32
      %dma_wait3A_105 = tpu.memref_slice %arg11[%add3A_74, %dma_wait3A_104] : memref<52224x16xf32, #tpu.memory_space<vmem_shared>> -> memref<800x16xf32, #tpu.memory_space<vmem_shared>>
      tpu.wait_dma2 semaphore(%run_scoped3A : memref<!tpu.dma_semaphore, #tpu.memory_space<semaphore_mem>>) src(%dma_wait3A_105 : memref<800x16xf32, #tpu.memory_space<vmem_shared>>) dst(%arg10 : memref<800x16xf32, #tpu.memory_space<vmem>>)
      tpu.yield
    }) : () -> ()
    %mul3A_75 = arith.constant 3200 : i32
    %mul3A_76 = arith.muli %arg1, %mul3A_75 : i32
    %add3A_77 = arith.addi %mul3A_61, %mul3A_76 : i32
    %add3A_78 = arith.constant 800 : i32
    %add3A_79 = arith.addi %add3A_77, %add3A_78 : i32
    "tpu.region"() ({
      %run_scoped3A = tpu.sem_alloc : memref<!tpu.dma_semaphore, #tpu.memory_space<semaphore_mem>>
      %dma_start3A_98 = arith.constant 0 : i32
      %dma_start3A_99 = tpu.memref_slice %arg5[%add3A_79, %dma_start3A_98] : memref<102400x16xf32, #tpu.memory_space<hbm>> -> memref<800x16xf32, #tpu.memory_space<hbm>>
      %dma_start3A_100 = arith.constant 0 : i32
      %dma_start3A_101 = tpu.memref_slice %arg5[%add3A_79, %dma_start3A_100] : memref<102400x16xf32, #tpu.memory_space<hbm>> -> memref<800x16xf32, #tpu.memory_space<hbm>>
      tpu.enqueue_dma source(%arg10 : memref<800x16xf32, #tpu.memory_space<vmem>>) target(%dma_start3A_101 : memref<800x16xf32, #tpu.memory_space<hbm>>) target_semaphore(%run_scoped3A : memref<!tpu.dma_semaphore, #tpu.memory_space<semaphore_mem>>)
      %dma_wait3A_102 = arith.constant 0 : i32
      %dma_wait3A_103 = tpu.memref_slice %arg5[%add3A_79, %dma_wait3A_102] : memref<102400x16xf32, #tpu.memory_space<hbm>> -> memref<800x16xf32, #tpu.memory_space<hbm>>
      %dma_wait3A_104 = arith.constant 0 : i32
      %dma_wait3A_105 = tpu.memref_slice %arg5[%add3A_79, %dma_wait3A_104] : memref<102400x16xf32, #tpu.memory_space<hbm>> -> memref<800x16xf32, #tpu.memory_space<hbm>>
      tpu.wait_dma2 semaphore(%run_scoped3A : memref<!tpu.dma_semaphore, #tpu.memory_space<semaphore_mem>>) src(%arg10 : memref<800x16xf32, #tpu.memory_space<vmem>>) dst(%dma_wait3A_105 : memref<800x16xf32, #tpu.memory_space<hbm>>)
      tpu.yield
    }) : () -> ()
    %mul3A_80 = arith.constant 3200 : i32
    %mul3A_81 = arith.muli %arg1, %mul3A_80 : i32
    %add3A_82 = arith.constant 1600 : i32
    %add3A_83 = arith.addi %mul3A_81, %add3A_82 : i32
    "tpu.region"() ({
      %run_scoped3A = tpu.sem_alloc : memref<!tpu.dma_semaphore, #tpu.memory_space<semaphore_mem>>
      %dma_start3A_98 = arith.constant 0 : i32
      %dma_start3A_99 = tpu.memref_slice %arg11[%add3A_83, %dma_start3A_98] : memref<52224x16xf32, #tpu.memory_space<vmem_shared>> -> memref<800x16xf32, #tpu.memory_space<vmem_shared>>
      %dma_start3A_100 = arith.constant 0 : i32
      %dma_start3A_101 = tpu.memref_slice %arg11[%add3A_83, %dma_start3A_100] : memref<52224x16xf32, #tpu.memory_space<vmem_shared>> -> memref<800x16xf32, #tpu.memory_space<vmem_shared>>
      tpu.enqueue_dma source(%dma_start3A_101 : memref<800x16xf32, #tpu.memory_space<vmem_shared>>) target(%arg10 : memref<800x16xf32, #tpu.memory_space<vmem>>) target_semaphore(%run_scoped3A : memref<!tpu.dma_semaphore, #tpu.memory_space<semaphore_mem>>)
      %dma_wait3A_102 = arith.constant 0 : i32
      %dma_wait3A_103 = tpu.memref_slice %arg11[%add3A_83, %dma_wait3A_102] : memref<52224x16xf32, #tpu.memory_space<vmem_shared>> -> memref<800x16xf32, #tpu.memory_space<vmem_shared>>
      %dma_wait3A_104 = arith.constant 0 : i32
      %dma_wait3A_105 = tpu.memref_slice %arg11[%add3A_83, %dma_wait3A_104] : memref<52224x16xf32, #tpu.memory_space<vmem_shared>> -> memref<800x16xf32, #tpu.memory_space<vmem_shared>>
      tpu.wait_dma2 semaphore(%run_scoped3A : memref<!tpu.dma_semaphore, #tpu.memory_space<semaphore_mem>>) src(%dma_wait3A_105 : memref<800x16xf32, #tpu.memory_space<vmem_shared>>) dst(%arg10 : memref<800x16xf32, #tpu.memory_space<vmem>>)
      tpu.yield
    }) : () -> ()
    %mul3A_84 = arith.constant 3200 : i32
    %mul3A_85 = arith.muli %arg1, %mul3A_84 : i32
    %add3A_86 = arith.addi %mul3A_61, %mul3A_85 : i32
    %add3A_87 = arith.constant 1600 : i32
    %add3A_88 = arith.addi %add3A_86, %add3A_87 : i32
    "tpu.region"() ({
      %run_scoped3A = tpu.sem_alloc : memref<!tpu.dma_semaphore, #tpu.memory_space<semaphore_mem>>
      %dma_start3A_98 = arith.constant 0 : i32
      %dma_start3A_99 = tpu.memref_slice %arg5[%add3A_88, %dma_start3A_98] : memref<102400x16xf32, #tpu.memory_space<hbm>> -> memref<800x16xf32, #tpu.memory_space<hbm>>
      %dma_start3A_100 = arith.constant 0 : i32
      %dma_start3A_101 = tpu.memref_slice %arg5[%add3A_88, %dma_start3A_100] : memref<102400x16xf32, #tpu.memory_space<hbm>> -> memref<800x16xf32, #tpu.memory_space<hbm>>
      tpu.enqueue_dma source(%arg10 : memref<800x16xf32, #tpu.memory_space<vmem>>) target(%dma_start3A_101 : memref<800x16xf32, #tpu.memory_space<hbm>>) target_semaphore(%run_scoped3A : memref<!tpu.dma_semaphore, #tpu.memory_space<semaphore_mem>>)
      %dma_wait3A_102 = arith.constant 0 : i32
      %dma_wait3A_103 = tpu.memref_slice %arg5[%add3A_88, %dma_wait3A_102] : memref<102400x16xf32, #tpu.memory_space<hbm>> -> memref<800x16xf32, #tpu.memory_space<hbm>>
      %dma_wait3A_104 = arith.constant 0 : i32
      %dma_wait3A_105 = tpu.memref_slice %arg5[%add3A_88, %dma_wait3A_104] : memref<102400x16xf32, #tpu.memory_space<hbm>> -> memref<800x16xf32, #tpu.memory_space<hbm>>
      tpu.wait_dma2 semaphore(%run_scoped3A : memref<!tpu.dma_semaphore, #tpu.memory_space<semaphore_mem>>) src(%arg10 : memref<800x16xf32, #tpu.memory_space<vmem>>) dst(%dma_wait3A_105 : memref<800x16xf32, #tpu.memory_space<hbm>>)
      tpu.yield
    }) : () -> ()
    %mul3A_89 = arith.constant 3200 : i32
    %mul3A_90 = arith.muli %arg1, %mul3A_89 : i32
    %add3A_91 = arith.constant 2400 : i32
    %add3A_92 = arith.addi %mul3A_90, %add3A_91 : i32
    "tpu.region"() ({
      %run_scoped3A = tpu.sem_alloc : memref<!tpu.dma_semaphore, #tpu.memory_space<semaphore_mem>>
      %dma_start3A_98 = arith.constant 0 : i32
      %dma_start3A_99 = tpu.memref_slice %arg11[%add3A_92, %dma_start3A_98] : memref<52224x16xf32, #tpu.memory_space<vmem_shared>> -> memref<800x16xf32, #tpu.memory_space<vmem_shared>>
      %dma_start3A_100 = arith.constant 0 : i32
      %dma_start3A_101 = tpu.memref_slice %arg11[%add3A_92, %dma_start3A_100] : memref<52224x16xf32, #tpu.memory_space<vmem_shared>> -> memref<800x16xf32, #tpu.memory_space<vmem_shared>>
      tpu.enqueue_dma source(%dma_start3A_101 : memref<800x16xf32, #tpu.memory_space<vmem_shared>>) target(%arg10 : memref<800x16xf32, #tpu.memory_space<vmem>>) target_semaphore(%run_scoped3A : memref<!tpu.dma_semaphore, #tpu.memory_space<semaphore_mem>>)
      %dma_wait3A_102 = arith.constant 0 : i32
      %dma_wait3A_103 = tpu.memref_slice %arg11[%add3A_92, %dma_wait3A_102] : memref<52224x16xf32, #tpu.memory_space<vmem_shared>> -> memref<800x16xf32, #tpu.memory_space<vmem_shared>>
      %dma_wait3A_104 = arith.constant 0 : i32
      %dma_wait3A_105 = tpu.memref_slice %arg11[%add3A_92, %dma_wait3A_104] : memref<52224x16xf32, #tpu.memory_space<vmem_shared>> -> memref<800x16xf32, #tpu.memory_space<vmem_shared>>
      tpu.wait_dma2 semaphore(%run_scoped3A : memref<!tpu.dma_semaphore, #tpu.memory_space<semaphore_mem>>) src(%dma_wait3A_105 : memref<800x16xf32, #tpu.memory_space<vmem_shared>>) dst(%arg10 : memref<800x16xf32, #tpu.memory_space<vmem>>)
      tpu.yield
    }) : () -> ()
    %mul3A_93 = arith.constant 3200 : i32
    %mul3A_94 = arith.muli %arg1, %mul3A_93 : i32
    %add3A_95 = arith.addi %mul3A_61, %mul3A_94 : i32
    %add3A_96 = arith.constant 2400 : i32
    %add3A_97 = arith.addi %add3A_95, %add3A_96 : i32
    "tpu.region"() ({
      %run_scoped3A = tpu.sem_alloc : memref<!tpu.dma_semaphore, #tpu.memory_space<semaphore_mem>>
      %dma_start3A_98 = arith.constant 0 : i32
      %dma_start3A_99 = tpu.memref_slice %arg5[%add3A_97, %dma_start3A_98] : memref<102400x16xf32, #tpu.memory_space<hbm>> -> memref<800x16xf32, #tpu.memory_space<hbm>>
      %dma_start3A_100 = arith.constant 0 : i32
      %dma_start3A_101 = tpu.memref_slice %arg5[%add3A_97, %dma_start3A_100] : memref<102400x16xf32, #tpu.memory_space<hbm>> -> memref<800x16xf32, #tpu.memory_space<hbm>>
      tpu.enqueue_dma source(%arg10 : memref<800x16xf32, #tpu.memory_space<vmem>>) target(%dma_start3A_101 : memref<800x16xf32, #tpu.memory_space<hbm>>) target_semaphore(%run_scoped3A : memref<!tpu.dma_semaphore, #tpu.memory_space<semaphore_mem>>)
      %dma_wait3A_102 = arith.constant 0 : i32
      %dma_wait3A_103 = tpu.memref_slice %arg5[%add3A_97, %dma_wait3A_102] : memref<102400x16xf32, #tpu.memory_space<hbm>> -> memref<800x16xf32, #tpu.memory_space<hbm>>
      %dma_wait3A_104 = arith.constant 0 : i32
      %dma_wait3A_105 = tpu.memref_slice %arg5[%add3A_97, %dma_wait3A_104] : memref<102400x16xf32, #tpu.memory_space<hbm>> -> memref<800x16xf32, #tpu.memory_space<hbm>>
      tpu.wait_dma2 semaphore(%run_scoped3A : memref<!tpu.dma_semaphore, #tpu.memory_space<semaphore_mem>>) src(%arg10 : memref<800x16xf32, #tpu.memory_space<vmem>>) dst(%dma_wait3A_105 : memref<800x16xf32, #tpu.memory_space<hbm>>)
      tpu.yield
    }) : () -> ()
    return
  }
}

</mosaic_0001>

<sc_bundles>
// kernel: _sc_count.3.cloned.1.call-start
scs
__scs_entry_jumppad:
0x0: {  	(pc) =	sbr.rel $0x88, $3  }
0x1: {  	(tag) =	ssettag $0x0;
	lr =	simm.s32 $0x1  }
0x2: {  	[smem:$0x3F9E] =	sst lr;
	_ =	strace $0xD0000000  }
0x3: {  	_ = 	snop  }
0x4: {  	_ = 	snop  }
0x5: {  	_ = 	snop  }
0x6: {  	_ = 	snop  }
0x7: {  	_ = 	snop  }
__scs_overlays_trampoline_lowered:
0x8: {  	[smem:$0x3FAD] =	sst s0  }
0x9: {  	[smem:$0x3FAE] =	sst s1  }
0xa: {  	[smem:$0x3FAF] =	sst s2  }
0xb: {  	[smem:$0x3FB0] =	sst s3  }
0xc: {  	[smem:$0x3FB1] =	sst s4  }
0xd: {  	[smem:$0x3FB2] =	sst s5  }
0xe: {  	[smem:$0x3FB3] =	sst s6  }
0xf: {  	[smem:$0x3FB4] =	sst s7  }
0x10: {  	[smem:$0x3FB5] =	sst s8  }
0x11: {  	[smem:$0x3FB6] =	sst s9;
	s0 =	simm.s32 @!p0 $0x0  }
0x12: {  	s1 =	sld [smem:$0x3F9C];
	s0 =	simm.s32 @p0 $0x1  }
0x13: {  	[smem:$0x3FB7] =	sst s0;
	s0 =	simm.s32 @!p1 $0x0  }
0x14: {  	s2 =	sld [smem:$0x3F9B];
	s0 =	simm.s32 @p1 $0x1  }
0x15: {  	[smem:$0x3FB8] =	sst s0;
	s0 =	simm.s32 @!p2 $0x0  }
0x16: {  	s3 =	sld [smem:$0x3FDB];
	s0 =	simm.s32 @p2 $0x1  }
0x17: {  	s4 =	simm.s32 $0x1BF5;
	[smem:$0x3FBA] =	sst s0  }
0x18: {  	s0 =	sld [smem:$0x3F9D];
	_ =	swait.ge [sflag:s4], $0x0  }
0x19: {  	s7 =	sld [smem:$0x3F9E]  }
0x1a: {  	s8 =	sadd.s32 $0xFFFFE003, lr  }
0x1b: {  	s9 =	sadd.s32 $0xFFFFFEF7, lr;
	s5 =	simm.s32 $0xFFFFFFFF;
	p2 =	slt.u32 s8, $0xFFFFF086  }
0x1c: {  	p1 =	slt.u32 s9, $0xF7A;
	s5 =	simm.s32 @!p2 $0x0  }
0x1d: {  	s5 =	simm.s32 @p1 $0x1;
	p0 =	seq.s32 s7, s2  }
0x1e: {  	s7 =	smul.u32 @!p0 $0xF7A, s2;
	p2 =	seq.s32 @!p0 s5, $0x0  }
0x1f: {  	s9 =	smul.u32 $0xF7A, s1;
	s8 =	simm.s32 @!p0 $0x1BF5;
	p2 =	por !p2, p0  }
0x20: {  	[sflag:s8] =	ssyncset.s32 @!p0 $0xFFFFF086;
	s6 =	sadd.s32 @!p0 s3, s7;
	s7 =	simm.s32 @!p0 $0x108  }
0x21: {  	s3 =	sadd.s32 s3, s9;
	s6 =	sadd.s32 @!p0 $0x88, s6;
	s7 =	simm.s32 @p2 $0x1082  }
0x22: {  	[simem:s7], [sflag:s8] =	dma.local @!p0 [hbm:s6], $0xF7A  }
0x23: {  	s9 =	sor.u32 $0xD0000000, s2;
	s6 =	simm.s32 $0x108;
	_ =	swait.ge @!p0 [sflag:s8], $0x0  }
0x24: {  	s3 =	sadd.s32 $0x88, s3;
	s6 =	simm.s32 @!p1 $0x1082;
	[sflag:s4] =	ssyncset.s32 $0xFFFFF086  }
0x25: {  	[simem:s6], [sflag:s4] =	dma.local [hbm:s3], $0xF7A  }
0x26: {  	[smem:$0x3F9E] =	sst s1;
	(tag) =	ssettag s2;
	_ =	strace s9  }
0x27: {  	s1 =	sld [smem:$0x3FAE]  }
0x28: {  	s2 =	sld [smem:$0x3FAF]  }
0x29: {  	s4 =	sld [smem:$0x3FB1]  }
0x2a: {  	p0 =	seq.s32 s5, $0x0;
	s5 =	sld [smem:$0x3FB2]  }
0x2b: {  	s6 =	sld [smem:$0x3FB3]  }
0x2c: {  	s7 =	sld [smem:$0x3FB4]  }
0x2d: {  	s3 =	simm.s32 $0x108;
	s8 =	sld [smem:$0x3FB5]  }
0x2e: {  	s3 =	simm.s32 @!p0 $0x1082;
	s9 =	sld [smem:$0x3FB6]  }
0x2f: {  	lr =	sadd.s32 s0, s3;
	s0 =	sld [smem:$0x3FAD]  }
0x30: {  	s3 =	sld [smem:$0x3FB0]  }
0x31: {  	[smem:$0x3FB9] =	sst s10  }
0x32: {  	s10 =	sld [smem:$0x3FB7];
	_ =	sdelay $0x3  }
0x33: {  	p0 =	seq.s32 s10, $0x1;
	s10 =	sld [smem:$0x3FB9];
	_ =	sdelay $0x3  }
0x34: {  	[smem:$0x3FB9] =	sst s10  }
0x35: {  	s10 =	sld [smem:$0x3FB8];
	_ =	sdelay $0x3  }
0x36: {  	p1 =	seq.s32 s10, $0x1;
	s10 =	sld [smem:$0x3FB9];
	_ =	sdelay $0x3  }
0x37: {  	[smem:$0x3FB9] =	sst s10  }
0x38: {  	s10 =	sld [smem:$0x3FBA]  }
0x39: {  	_ = 	snop;
	(pc) =	sbr.ind lr, $3  }
0x3a: {  	_ = 	snop  }
0x3b: {  	_ = 	snop  }
0x3c: {  	p2 =	seq.s32 s10, $0x1;
	s10 =	sld [smem:$0x3FB9]  }
0x3d: {  	_ =	shalt  }
0x3e: {  	_ =	shalt  }
0x3f: {  	_ =	shalt  }
0x40: {  	_ =	shalt  }
0x41: {  	_ =	shalt  }
0x42: {  	_ =	shalt  }
0x43: {  	_ =	shalt  }
0x44: {  	_ =	shalt  }
0x45: {  	_ =	shalt  }
0x46: {  	_ =	shalt  }
0x47: {  	_ =	shalt  }
0x48: {  	_ =	shalt  }
0x49: {  	_ =	shalt  }
0x4a: {  	_ =	shalt  }
0x4b: {  	_ =	shalt  }
0x4c: {  	_ =	shalt  }
0x4d: {  	_ =	shalt  }
0x4e: {  	_ =	shalt  }
0x4f: {  	_ =	shalt  }
0x50: {  	_ =	shalt  }
0x51: {  	_ =	shalt  }
0x52: {  	_ =	shalt  }
0x53: {  	_ =	shalt  }
0x54: {  	_ =	shalt  }
0x55: {  	_ =	shalt  }
0x56: {  	_ =	shalt  }
0x57: {  	_ =	shalt  }
0x58: {  	_ =	shalt  }
0x59: {  	_ =	shalt  }
0x5a: {  	_ =	shalt  }
0x5b: {  	_ =	shalt  }
0x5c: {  	_ =	shalt  }
0x5d: {  	_ =	shalt  }
0x5e: {  	_ =	shalt  }
0x5f: {  	_ =	shalt  }
0x60: {  	_ =	shalt  }
0x61: {  	_ =	shalt  }
0x62: {  	_ =	shalt  }
0x63: {  	_ =	shalt  }
0x64: {  	_ =	shalt  }
0x65: {  	_ =	shalt  }
0x66: {  	_ =	shalt  }
0x67: {  	_ =	shalt  }
0x68: {  	_ =	shalt  }
0x69: {  	_ =	shalt  }
0x6a: {  	_ =	shalt  }
0x6b: {  	_ =	shalt  }
0x6c: {  	_ =	shalt  }
0x6d: {  	_ =	shalt  }
0x6e: {  	_ =	shalt  }
0x6f: {  	_ =	shalt  }
0x70: {  	_ =	shalt  }
0x71: {  	_ =	shalt  }
0x72: {  	_ =	shalt  }
0x73: {  	_ =	shalt  }
0x74: {  	_ =	shalt  }
0x75: {  	_ =	shalt  }
0x76: {  	_ =	shalt  }
0x77: {  	_ =	shalt  }
0x78: {  	_ =	shalt  }
0x79: {  	_ =	shalt  }
0x7a: {  	_ =	shalt  }
0x7b: {  	_ =	shalt  }
0x7c: {  	_ =	shalt  }
0x7d: {  	_ =	shalt  }
0x7e: {  	_ =	shalt  }
0x7f: {  	_ =	shalt  }
0x80: {  	_ =	shalt  }
0x81: {  	_ =	shalt  }
0x82: {  	_ =	shalt  }
0x83: {  	_ =	shalt  }
0x84: {  	_ =	shalt  }
0x85: {  	_ =	shalt  }
0x86: {  	_ =	shalt  }
0x87: {  	_ =	shalt  }
.Lfunc_end0:
.L_simem_size_0:
called_computation_lowered:
.L_overlay_start_0:
0x88: {  	s2 =	sld [smem:$0x3FD9]  }
0x89: {  	s3 =	sld [smem:$0x3FFE];
	_ =	sdelay $0x1  }
0x8a: {  	s1 =	srdreg.scid  }
0x8b: {  	s0 =	sand.u32 $0x1, s1  }
0x8c: {  	s17 =	sshll.u32 s0, $0xA;
	s2 =	sadd.s32 s3, s2  }
0x8d: {  	s2 =	sadd.s32 s2, s17  }
0x8e: {  	[smem:$0x3FC5] =	sst s2  }
0x8f: {  	_ = 	snop  }
0x90: {  	s2 =	sld [smem:$0x3FC9]  }
0x91: {  	s18 =	sld [smem:$0x3FD0];
	(tm) =	ssettm $0x1  }
0x92: {  	s4 =	sld [smem:$0x3FFB];
	_ =	sdelay $0x3  }
0x93: {  	_ =	strace s4  }
0x94: {  	s4 =	sld [smem:$0x3FFC];
	_ =	sdelay $0x3  }
0x95: {  	_ =	strace s4  }
0x96: {  	s4 =	sld [smem:$0x3FFD];
	_ =	sdelay $0x3  }
0x97: {  	_ =	strace s4  }
0x98: {  	_ =	strace $0x8FFFFFFF  }
0x99: {  	s19 =	sld [smem:$0x3FDB];
	_ =	sdelay $0x1  }
0x9a: {  	s5 =	simm.s32 $_scs_section_size  }
0x9b: {  	s6 =	simm.s32 $_size__tile_overlayer_lowered;
	s7 =	simm.s32 $_tile_overlayer_lowered  }
0x9c: {  	s22 =	simm.s32 $0x1BFF;
	s21 =	sshll.u32 s7, $0x1;
	s4 =	sadd.s32 s5, s19  }
0x9d: {  	s8 =	simm.s32 $0x0;
	s20 =	sshll.u32 s6, $0x1;
	s6 =	sadd.s32 s21, s4  }
0x9e: {  	[timem:s8], [sflag:s22] =	dma.local [hbm:s6], s20  }
0x9f: {  	_ =	swait.ge [sflag:s22], s20  }
0xa0: {  	s5 =	ssub.s32 $0x0, s20;
	[sflag:s22] =	ssyncset.done $0x0  }
0xa1: {  	[sflag:s22] =	ssyncadd.s32 s5;
	_ =	sdelay $0x1  }
0xa2: {  	s23 =	simm.s32 $0x1B8B  }
0xa3: {  	_ =	swait.ge [sflag:s23], $0x1  }
0xa4: {  	[sflag:s23] =	ssyncset.done $0x0  }
0xa5: {  	s25 =	simm.s32 $0x1B8E;
	s24 =	sld [smem:$0x3FFE];
	[sflag:s23] =	ssyncadd.s32 $0xFFFFFFFF  }
0xa6: {  	s26 =	simm.s32 $execute0_lowered;
	[smem:$0x3FD2] =	sst s25  }
0xa7: {  	s6 =	sshll.u32 s26, $0x1;
	_ =	strace $0x80000046;
	[dreg:$0x1] =	wrdreg $0xFFFFFFFF  }
0xa8: {  	s28 =	simm.s32 $_size_execute0_lowered;
	s4 =	sadd.s32 s4, s6;
	[dreg:$0x0] =	wrdreg $0x0  }
0xa9: {  	s6 =	sshll.u32 s28, $0x1;
	[dreg:$0x2] =	wrdreg s4  }
0xaa: {  	[dreg:$0x3] =	wrdreg s6  }
0xab: {  	[dreg:$0x4] =	wrdreg $0xC0  }
0xac: {  	_ =	task [dreg:s8], $0x5FFFF  }
0xad: {  	[dreg:$0x1] =	wrdreg $0xFFFFFFFF  }
0xae: {  	[dreg:$0x0] =	wrdreg $0x60  }
0xaf: {  	[dreg:$0x2] =	wrdreg s2  }
0xb0: {  	[dreg:$0x3] =	wrdreg s24  }
0xb1: {  	[dreg:$0x4] =	wrdreg s18  }
0xb2: {  	[dreg:$0x5] =	wrdreg $0x6D000  }
0xb3: {  	[dreg:$0x6] =	wrdreg $0x9  }
0xb4: {  	_ =	task.clear_ibuf [dreg:s8], $0x7FFFF;
	_ =	strace $0x90000046  }
0xb5: {  	s29 =	simm.s32 $0x9;
	_ =	strace $0x80000048  }
0xb6: {  	_ =	swait.ge [sflag:s29], $0x1  }
0xb7: {  	[sflag:s29] =	ssyncadd.s32 $0xFFFFFFFF  }
0xb8: {  	_ =	strace $0x90000048  }
0xb9: {  	_ =	sfence  }
0xba: {  	s30 =	sld [smem:$0x0];
	_ =	sdelay $0x2  }
0xbb: {  	s31 =	sshll.u32 s1, $0xD;
	s1 =	sshrl.u32 s1, $0x2  }
0xbc: {  	s3 =	sand.u32 $0x4000, s31;
	s1 =	sadd.s32 s1, s30  }
0xbd: {  	s0 =	sor.u32 s3, s0;
	s1 =	sshll.u32 s1, $0x11  }
0xbe: {  	s0 =	sor.u32 s1, s0  }
0xbf: {  	s0 =	sadd.s32 $0x8F2B, s0  }
0xc0: {  	[sflag:s0] =	ssyncadd.remote.s32 $0x1  }
0xc1: {  	_ =	sfence.sel $0xFFFF  }
0xc2: {  	[dreg:$0x0] =	wrdreg $0xFFFFFFFF;
	(pc) =	sbr.abs _section_cstart, $3  }
0xc3: {  	[dreg:$0x1] =	wrdreg $0xFFFFFFFF  }
0xc4: {  	_ =	task.clear_ibuf [dreg:s8], $0x2FFFF;
	_ =	strace $0x9FFFFFFF  }
0xc5: {  	(tm) =	ssettm $0x7FFFFFFF  }
tec
execute0_lowered:
.L_overlay_start_1:
0x0: {  	(tag) =	ssettag $0x1  }
0x1: {  	s19 =	rddreg [dreg:$0x0]  }
0x2: {  	s5 =	rddreg [dreg:$0x1]  }
0x3: {  	s12 =	rddreg [dreg:$0x2]  }
0x4: {  	s2 =	rddreg [dreg:$0x3]  }
0x5: {  	s0 =	rddreg [dreg:$0x4];
	s1 =	stileid.u32  }
0x6: {  	s3 =	simm.s32 $0x0;
	s4 =	srdreg.scid;
	s22 =	simm.s32 $0x900  }
0x7: {  	s23 =	simm.s32 $0x80;
	s24 =	simm.s32 $0x1;
	s8 =	smul.u32 $0xC80, s1  }
0x8: {  	s25 =	simm.s32 $0x2;
	s26 =	simm.s32 $0x3B00;
	s6 =	smul.u32 $0x32000, s1  }
0x9: {  	s28 =	simm.s32 $0x0;
	[smem:$0x7FF] =	sst s3;
	s10 =	smul.u32 $0x310, s1  }
0xa: {  	s15 =	sand.u32 $0x1, s4;
	s4 =	sadd.s32 $0x400, s5;
	s21 =	smul.u32 $0x3100, s1  }
0xb: {  	s5 =	sadd.s32 $0x600, s5;
	s7 =	smul.u32 $0x3100, s15;
	s9 =	ssub.s32 $0x2, s15  }
0xc: {  	_ =	strace $0x80000047;
	s13 =	smul.u32 $0xC800, s15;
	s11 =	sshrl.u32 s9, $0x1  }
0xd: {  	s20 =	smul.u32 $0x31000, s15;
	s6 =	sshrl.u32 s6, $0x2;
	s16 =	ssub.s32 s9, s11  }
0xe: {  	s6 =	sadd.s32 s6, s2;
	s30 =	sadd.s32 s10, s7;
	s31 =	sadd.s32 s8, s13  }
0xf: {  	s7 =	sadd.s32 $0x3200, s6;
	s9 =	sshll.u32 s30, $0x4;
	s8 =	sadd.s32 $0x6400, s6  }
0x10: {  	s13 =	sshll.u32 s31, $0x1;
	s10 =	sadd.s32 $0x9600, s6;
	s16 =	smax.u32 s16, $0x1  }
0x11: {  	s9 =	sadd.s32 s19, s9;
	s12 =	sadd.s32 s12, s13;
	s19 =	sadd.s32 s20, s19  }
0x12: {  	s20 =	simm.s32 $0x100;
	s11 =	sadd.s32 $0x10, s9;
	s13 =	sadd.s32 $0x640, s12  }
0x13: {  	s14 =	sadd.s32 $0xC80, s12;
	s15 =	sadd.s32 $0x12C0, s12;
	s17 =	sadd.s32 $0x30F0, s9  }
0x14: {  	s18 =	sadd.s32 $0x30E0, s9;
	s19 =	sadd.s32 s21, s19;
	s21 =	simm.s32 $0x3  }
.LBB2_1:
0x15: {  	[tilespmem:s20], [sflag:$0x3] =	stream.linear.gather [hbm4b:s4+s3], $0x800, $0x38;
	[tilespmem:$0x13900] =	vst v63  }
0x16: {  	_ =	swait.ge [sflag:s21], $0x800  }
0x17: {  	[sflag:s21] =	ssyncset.done $0x0  }
0x18: {  	[sflag:s21] =	ssyncadd.s32 $0xFFFFF800  }
0x19: {  	[tilespmem:s22], [sflag:$0x3] =	stream.linear.gather [hbm4b:s5+s3], $0x3200, $0x38;
	[tilespmem:$0x13900] =	vst v63  }
0x1a: {  	_ =	swait.ge [sflag:s21], $0x3200  }
0x1b: {  	[sflag:s21] =	ssyncset.done $0x0  }
0x1c: {  	[sflag:s21] =	ssyncadd.s32 $0xFFFFCE00  }
0x1d: {  	[spmem:s6] =	stream.linear.scatter [tilespmem:s22], [sflag:$0x3], $0x3200, $0x38;
	[tilespmem:$0x13900] =	vst v63  }
0x1e: {  	_ =	swait.ge [sflag:s21], $0x3200  }
0x1f: {  	[sflag:s21] =	ssyncset.done $0x0  }
0x20: {  	[sflag:s21] =	ssyncadd.s32 $0xFFFFCE00  }
0x21: {  	[spmem:s7] =	stream.linear.scatter [tilespmem:s22], [sflag:$0x3], $0x3200, $0x38;
	[tilespmem:$0x13900] =	vst v63  }
0x22: {  	_ =	swait.ge [sflag:s21], $0x3200  }
0x23: {  	[sflag:s21] =	ssyncset.done $0x0  }
0x24: {  	[sflag:s21] =	ssyncadd.s32 $0xFFFFCE00  }
0x25: {  	[spmem:s8] =	stream.linear.scatter [tilespmem:s22], [sflag:$0x3], $0x3200, $0x38;
	[tilespmem:$0x13900] =	vst v63  }
0x26: {  	_ =	swait.ge [sflag:s21], $0x3200  }
0x27: {  	[sflag:s21] =	ssyncset.done $0x0  }
0x28: {  	[sflag:s21] =	ssyncadd.s32 $0xFFFFCE00  }
0x29: {  	[spmem:s10] =	stream.linear.scatter [tilespmem:s22], [sflag:$0x3], $0x3200, $0x38;
	[tilespmem:$0x13900] =	vst v63  }
0x2a: {  	_ =	swait.ge [sflag:s21], $0x3200  }
0x2b: {  	[sflag:s21] =	ssyncset.done $0x0  }
0x2c: {  	[sflag:s21] =	ssyncadd.s32 $0xFFFFCE00  }
0x2d: {  	[bflag:$0x0] =	sbarrier.arrive $0xFFFF  }
0x2e: {  	[tilespmem:s3], [sflag:$0x1] =	stream.linear.gather [hbm4b:s9+s3], $0x80, $0x38;
	[tilespmem:$0x13900] =	vst v63  }
0x2f: {  	_ = 	snop  }
0x30: {  	[tilespmem:s23], [sflag:$0x2] =	stream.linear.gather [hbm4b:s11+s3], $0x80, $0x38;
	[tilespmem:$0x13900] =	vst v63  }
0x31: {  	_ =	swait.ge [sflag:s24], $0x80  }
0x32: {  	[sflag:s24] =	ssyncset.done $0x0  }
0x33: {  	[sflag:s24] =	ssyncadd.s32 $0xFFFFFF80  }
0x34: {  	[spmem:s2] =	stream.indirect.scatter.add.f32 [tilespmem:s20], [sflag:$0x3], $0x10, s3, s23, $0xb8;
	[tilespmem:$0x13900] =	vst v63  }
0x35: {  	_ =	swait.ge [sflag:s21], $0x800  }
0x36: {  	s30 =	sadd.s32 $0xFFFFCF40, s19;
	[sflag:s21] =	ssyncset.done $0x0  }
0x37: {  	s29 =	sadd.s32 $0x30E0, s30;
	[sflag:s21] =	ssyncadd.s32 $0xFFFFF800  }
0x38: {  	[tilespmem:s3], [sflag:$0x1] =	stream.linear.gather [hbm4b:s29+s3], $0x80, $0x38;
	[tilespmem:$0x13900] =	vst v63  }
0x39: {  	_ =	swait.ge [sflag:s25], $0x80  }
0x3a: {  	[sflag:s25] =	ssyncset.done $0x0  }
0x3b: {  	[sflag:s25] =	ssyncadd.s32 $0xFFFFFF80  }
0x3c: {  	[spmem:s2] =	stream.indirect.scatter.add.f32 [tilespmem:s20], [sflag:$0x3], $0x10, s23, s23, $0xb8;
	[tilespmem:$0x13900] =	vst v63  }
0x3d: {  	_ =	swait.ge [sflag:s21], $0x800  }
0x3e: {  	[sflag:s21] =	ssyncset.done $0x0  }
0x3f: {  	s30 =	sadd.s32 $0x30F0, s30;
	s29 =	simm.s32 $0xFFFFCF60;
	[sflag:s21] =	ssyncadd.s32 $0xFFFFF800  }
.LBB2_2:
0x40: {  	[tilespmem:s23], [sflag:$0x2] =	stream.linear.gather [hbm4b:s30+s3], $0x80, $0x38;
	[tilespmem:$0x13900] =	vst v63  }
0x41: {  	s30 =	smov.u32 s29  }
0x42: {  	p0 =	sne.s32 s29, $0xFFFFFFE0;
	s29 =	sadd.s32 $0x20, s29;
	_ =	swait.ge [sflag:s24], $0x80  }
0x43: {  	[sflag:s24] =	ssyncset.done $0x0  }
0x44: {  	[sflag:s24] =	ssyncadd.s32 $0xFFFFFF80  }
0x45: {  	[spmem:s2] =	stream.indirect.scatter.add.f32 [tilespmem:s20], [sflag:$0x3], $0x10, s3, s23, $0xb8;
	[tilespmem:$0x13900] =	vst v63  }
0x46: {  	_ =	swait.ge [sflag:s21], $0x800  }
0x47: {  	s30 =	sadd.s32 s30, s19;
	[sflag:s21] =	ssyncset.done $0x0  }
0x48: {  	s31 =	sadd.s32 $0x30E0, s30;
	[sflag:s21] =	ssyncadd.s32 $0xFFFFF800  }
0x49: {  	[tilespmem:s3], [sflag:$0x1] =	stream.linear.gather [hbm4b:s31+s3], $0x80, $0x38;
	[tilespmem:$0x13900] =	vst v63  }
0x4a: {  	_ =	swait.ge [sflag:s25], $0x80  }
0x4b: {  	[sflag:s25] =	ssyncset.done $0x0  }
.Ltmp0:
0x4c: {  	[sflag:s25] =	ssyncadd.s32 $0xFFFFFF80;
	(pc) =	sbr.rel @p0 .LBB2_2-.Ltmp0, $4  }
0x4d: {  	[spmem:s2] =	stream.indirect.scatter.add.f32 [tilespmem:s20], [sflag:$0x3], $0x10, s23, s23, $0xb8;
	[tilespmem:$0x13900] =	vst v63  }
0x4e: {  	_ =	swait.ge [sflag:s21], $0x800  }
0x4f: {  	[sflag:s21] =	ssyncset.done $0x0  }
0x50: {  	s30 =	sadd.s32 $0x30F0, s30;
	[sflag:s21] =	ssyncadd.s32 $0xFFFFF800  }
0x51: {  	[tilespmem:s23], [sflag:$0x2] =	stream.linear.gather [hbm4b:s30+s3], $0x80, $0x38;
	[tilespmem:$0x13900] =	vst v63  }
0x52: {  	_ =	swait.ge [sflag:s24], $0x80  }
0x53: {  	[sflag:s24] =	ssyncset.done $0x0  }
0x54: {  	[sflag:s24] =	ssyncadd.s32 $0xFFFFFF80  }
0x55: {  	[spmem:s2] =	stream.indirect.scatter.add.f32 [tilespmem:s20], [sflag:$0x3], $0x10, s3, s23, $0xb8;
	[tilespmem:$0x13900] =	vst v63  }
0x56: {  	_ =	swait.ge [sflag:s21], $0x800  }
0x57: {  	[sflag:s21] =	ssyncset.done $0x0  }
0x58: {  	[sflag:s21] =	ssyncadd.s32 $0xFFFFF800  }
0x59: {  	[tilespmem:s3], [sflag:$0x1] =	stream.linear.gather [hbm4b:s18+s3], $0x80, $0x38;
	[tilespmem:$0x13900] =	vst v63  }
0x5a: {  	_ =	swait.ge [sflag:s25], $0x80  }
0x5b: {  	[sflag:s25] =	ssyncset.done $0x0  }
0x5c: {  	[sflag:s25] =	ssyncadd.s32 $0xFFFFFF80  }
0x5d: {  	[spmem:s2] =	stream.indirect.scatter.add.f32 [tilespmem:s20], [sflag:$0x3], $0x10, s23, s23, $0xb8;
	[tilespmem:$0x13900] =	vst v63  }
0x5e: {  	_ =	swait.ge [sflag:s21], $0x800  }
0x5f: {  	[sflag:s21] =	ssyncset.done $0x0  }
0x60: {  	[sflag:s21] =	ssyncadd.s32 $0xFFFFF800  }
0x61: {  	[tilespmem:s23], [sflag:$0x2] =	stream.linear.gather [hbm4b:s17+s3], $0x80, $0x38;
	[tilespmem:$0x13900] =	vst v63  }
0x62: {  	_ =	swait.ge [sflag:s24], $0x80  }
0x63: {  	[sflag:s24] =	ssyncset.done $0x0  }
0x64: {  	[sflag:s24] =	ssyncadd.s32 $0xFFFFFF80  }
0x65: {  	[spmem:s2] =	stream.indirect.scatter.add.f32 [tilespmem:s20], [sflag:$0x3], $0x10, s3, s23, $0xb8;
	[tilespmem:$0x13900] =	vst v63  }
0x66: {  	_ =	swait.ge [sflag:s21], $0x800  }
0x67: {  	[sflag:s21] =	ssyncset.done $0x0  }
0x68: {  	[sflag:s21] =	ssyncadd.s32 $0xFFFFF800  }
0x69: {  	[tilespmem:s3], [sflag:$0x1] =	stream.linear.gather [hbm4b:s17+s3], $0x80, $0x38;
	[tilespmem:$0x13900] =	vst v63  }
0x6a: {  	_ =	swait.ge [sflag:s25], $0x80  }
0x6b: {  	[sflag:s25] =	ssyncset.done $0x0  }
0x6c: {  	[sflag:s25] =	ssyncadd.s32 $0xFFFFFF80  }
0x6d: {  	[spmem:s2] =	stream.indirect.scatter.add.f32 [tilespmem:s20], [sflag:$0x3], $0x10, s23, s23, $0xb8;
	[tilespmem:$0x13900] =	vst v63  }
0x6e: {  	_ =	swait.ge [sflag:s21], $0x800  }
0x6f: {  	[sflag:s21] =	ssyncset.done $0x0  }
0x70: {  	[sflag:s21] =	ssyncadd.s32 $0xFFFFF800  }
0x71: {  	[tilespmem:s23], [sflag:$0x2] =	stream.linear.gather [hbm4b:s17+s3], $0x80, $0x38;
	[tilespmem:$0x13900] =	vst v63  }
0x72: {  	_ =	swait.ge [sflag:s24], $0x80  }
0x73: {  	[sflag:s24] =	ssyncset.done $0x0  }
0x74: {  	[sflag:s24] =	ssyncadd.s32 $0xFFFFFF80  }
0x75: {  	_ =	swait.ge [sflag:s25], $0x80  }
0x76: {  	[sflag:s25] =	ssyncset.done $0x0  }
0x77: {  	[sflag:s25] =	ssyncadd.s32 $0xFFFFFF80  }
0x78: {  	[bflag:$0x0] =	sbarrier.arrive $0xFFFF  }
0x79: {  	[tilespmem:s26], [sflag:$0x3] =	stream.linear.gather [spmem:s6], $0x3200, $0x38;
	[tilespmem:$0x13900] =	vst v63  }
0x7a: {  	_ =	swait.ge [sflag:s21], $0x3200  }
0x7b: {  	[sflag:s21] =	ssyncset.done $0x0  }
0x7c: {  	[sflag:s21] =	ssyncadd.s32 $0xFFFFCE00  }
0x7d: {  	[hbm4b:s12+s3] =	stream.linear.scatter [tilespmem:s26], [sflag:$0x3], $0x3200, $0x38;
	[tilespmem:$0x13900] =	vst v63  }
0x7e: {  	_ =	swait.ge [sflag:s21], $0x3200  }
0x7f: {  	[sflag:s21] =	ssyncset.done $0x0  }
0x80: {  	[sflag:s21] =	ssyncadd.s32 $0xFFFFCE00  }
0x81: {  	[tilespmem:s26], [sflag:$0x3] =	stream.linear.gather [spmem:s7], $0x3200, $0x38;
	[tilespmem:$0x13900] =	vst v63  }
0x82: {  	_ =	swait.ge [sflag:s21], $0x3200  }
0x83: {  	[sflag:s21] =	ssyncset.done $0x0  }
0x84: {  	[sflag:s21] =	ssyncadd.s32 $0xFFFFCE00  }
0x85: {  	[hbm4b:s13+s3] =	stream.linear.scatter [tilespmem:s26], [sflag:$0x3], $0x3200, $0x38;
	[tilespmem:$0x13900] =	vst v63  }
0x86: {  	_ =	swait.ge [sflag:s21], $0x3200  }
0x87: {  	[sflag:s21] =	ssyncset.done $0x0  }
0x88: {  	[sflag:s21] =	ssyncadd.s32 $0xFFFFCE00  }
0x89: {  	[tilespmem:s26], [sflag:$0x3] =	stream.linear.gather [spmem:s8], $0x3200, $0x38;
	[tilespmem:$0x13900] =	vst v63  }
0x8a: {  	_ =	swait.ge [sflag:s21], $0x3200  }
0x8b: {  	[sflag:s21] =	ssyncset.done $0x0  }
0x8c: {  	[sflag:s21] =	ssyncadd.s32 $0xFFFFCE00  }
0x8d: {  	[hbm4b:s14+s3] =	stream.linear.scatter [tilespmem:s26], [sflag:$0x3], $0x3200, $0x38;
	[tilespmem:$0x13900] =	vst v63  }
0x8e: {  	_ =	swait.ge [sflag:s21], $0x3200  }
0x8f: {  	[sflag:s21] =	ssyncset.done $0x0  }
0x90: {  	[sflag:s21] =	ssyncadd.s32 $0xFFFFCE00  }
0x91: {  	[tilespmem:s26], [sflag:$0x3] =	stream.linear.gather [spmem:s10], $0x3200, $0x38;
	[tilespmem:$0x13900] =	vst v63  }
0x92: {  	s28 =	sadd.s32 $0x1, s28;
	_ =	swait.ge [sflag:s21], $0x3200  }
0x93: {  	p0 =	sne.s32 s28, s16;
	[sflag:s21] =	ssyncset.done $0x0  }
.Ltmp1:
0x94: {  	[sflag:s21] =	ssyncadd.s32 $0xFFFFCE00;
	(pc) =	sbr.rel @p0 .LBB2_1-.Ltmp1, $4  }
0x95: {  	[hbm4b:s15+s3] =	stream.linear.scatter [tilespmem:s26], [sflag:$0x3], $0x3200, $0x38;
	[tilespmem:$0x13900] =	vst v63  }
0x96: {  	_ =	swait.ge [sflag:s21], $0x3200  }
0x97: {  	[sflag:s21] =	ssyncset.done $0x0  }
0x98: {  	[sflag:s21] =	ssyncadd.s32 $0xFFFFCE00  }
0x99: {  	_ =	sfence.sel $0x180000  }
0x9a: {  	[bflag:$0x0] =	sbarrier.arrive $0xFFFF  }
0x9b: {  	p0 =	sne.s32 s1, $0x0;
	_ =	strace $0x90000047  }
0x9c: {  	s0 =	sadd.s32 @!p0 $0x100000, s0;
	[bflag:$0x2] =	sbarrier.arrive $0xFFFF  }
0x9d: {  	[sflag:s0] =	ssyncadd.tile.s32 @!p0 $0x1;
	_ =	shalt  }
.Lfunc_end2:
_tile_overlayer_lowered:
.L_overlay_start_2:
0x9e: {  	(tag) =	ssettag $0x2  }
0x9f: {  	s0 =	rddreg [dreg:$0x0];
	s2 =	stileid.u32  }
0xa0: {  	s1 =	rddreg [dreg:$0x1];
	p0 =	sne.s32 s2, $0x0  }
0xa1: {  	s3 =	rddreg [dreg:$0x2];
	[bflag:$0x3] =	sbarrier.arrive $0xFFFF;
	s2 =	simm.s32 @!p0 $0x1C03  }
0xa2: {  	[timem:s3], [sflag:s2] =	dma.local @!p0 [hbm:s0], s1  }
0xa3: {  	s0 =	simm.s32 @!p0 $0x3  }
0xa4: {  	_ =	swait.ge @!p0 [sflag:s0], s1  }
0xa5: {  	s1 =	ssub.s32 @!p0 $0x0, s1;
	[sflag:s0] =	ssyncset.done @!p0 $0x0  }
0xa6: {  	[sflag:s0] =	ssyncadd.s32 @!p0 s1  }
0xa7: {  	[bflag:$0x3] =	sbarrier.arrive $0xFFFF  }
0xa8: {  	_ =	shalt  }

</sc_bundles>
